<compile_context>
chip_gen: v7x
topology: tpu7x:2x2x1
jax: 0.10.2.dev20260603
libtpu: 0.0.44.dev20260713+nightly
codegen_flags: <defaults>
</compile_context>

<pallas_src>
import functools

import jax
import jax.numpy as jnp
from jax import lax
from jax.experimental import pallas as pl
from jax.experimental.pallas import tpu as pltpu
from jax.experimental.pallas import tpu_sc as plsc

NH = 8
NK = 4
NCORNER = 4
NJ = NK * NCORNER


def _proj_kernel(dk, q_blk, k_blk, ref_blk, Wk, Woff, WA, bk, boff, bA,
                 sf_out, idx_out, wgt_out):
    f32 = jnp.float32
    sf = jnp.dot(k_blk[...], Wk[...], preferred_element_type=f32) + bk[...]
    sf_out[...] = sf.reshape(sf_out.shape)

    off = jnp.dot(q_blk[...], Woff[...], preferred_element_type=f32) + boff[...]
    logits = jnp.dot(q_blk[...], WA[...], preferred_element_type=f32) + bA[...]
    m = jnp.max(logits, axis=1, keepdims=True)
    e = jnp.exp(logits - m)
    gi = lax.broadcasted_iota(jnp.int32, (NH * NK, NH * NK), 0) // NK
    gj = lax.broadcasted_iota(jnp.int32, (NH * NK, NH * NK), 1) // NK
    G = (gi == gj).astype(f32)
    s = jnp.dot(e, G, preferred_element_type=f32)
    A = e / s

    offx = off[:, : NH * NK]
    offy = off[:, NH * NK:]
    rx = ref_blk[:, 0:1]
    ry = ref_blk[:, 1:2]
    px = rx * 31.0 + offx
    py = ry * 31.0 + offy
    ix = ((2.0 * px / 31.0) * 32.0 - 1.0) * 0.5
    iy = ((2.0 * py / 31.0) * 32.0 - 1.0) * 0.5
    ix0 = jnp.floor(ix)
    iy0 = jnp.floor(iy)
    wx1 = ix - ix0
    wx0 = 1.0 - wx1
    wy1 = iy - iy0
    wy0 = 1.0 - wy1
    vx0 = ((ix0 >= 0.0) & (ix0 <= 31.0)).astype(f32)
    vx1 = ((ix0 + 1.0 >= 0.0) & (ix0 + 1.0 <= 31.0)).astype(f32)
    vy0 = ((iy0 >= 0.0) & (iy0 <= 31.0)).astype(f32)
    vy1 = ((iy0 + 1.0 >= 0.0) & (iy0 + 1.0 <= 31.0)).astype(f32)
    x0 = jnp.clip(ix0, 0.0, 31.0)
    x1 = jnp.clip(ix0 + 1.0, 0.0, 31.0)
    y0 = jnp.clip(iy0, 0.0, 31.0)
    y1 = jnp.clip(iy0 + 1.0, 0.0, 31.0)

    x_cm = jnp.concatenate([x0, x1, x0, x1], axis=1)
    y_cm = jnp.concatenate([y0, y0, y1, y1], axis=1)
    wgt_cm = jnp.concatenate(
        [A * wx0 * wy0 * vx0 * vy0, A * wx1 * wy0 * vx1 * vy0,
         A * wx0 * wy1 * vx0 * vy1, A * wx1 * wy1 * vx1 * vy1], axis=1)
    NC = NCORNER * NH * NK
    si = lax.broadcasted_iota(jnp.int32, (NC, NC), 0)
    tj = lax.broadcasted_iota(jnp.int32, (NC, NC), 1)
    P = (tj == ((si % 32) // NK) * 16 + (si // 32) * NK + si % NK).astype(f32)
    xP = jnp.dot(x_cm, P, preferred_element_type=f32)
    yP = jnp.dot(y_cm, P, preferred_element_type=f32)
    idx_out[...] = (yP * 32.0 + xP + 0.5).astype(jnp.int32)
    wgt_out[...] = jnp.dot(wgt_cm, P, preferred_element_type=f32)


def _run_proj(q2, k2, ref_rows, Wk, bk, Woff_p, boff_p, WA, bA):
    R, C = q2.shape
    BR = 256
    grid = (R // BR,)
    nrb = ref_rows.shape[0] // BR
    row_spec = lambda n: pl.BlockSpec((BR, n), lambda i: (i, 0))
    full_spec = lambda a, b: pl.BlockSpec((a, b), lambda i: (0, 0))
    return pl.pallas_call(
        functools.partial(_proj_kernel, C // NH),
        grid=grid,
        in_specs=[
            row_spec(C), row_spec(C),
            pl.BlockSpec((BR, 2), lambda i: (i % nrb, 0)),
            full_spec(C, C),
            full_spec(C, 2 * NH * NK), full_spec(C, NH * NK),
            full_spec(1, C),
            full_spec(1, 2 * NH * NK), full_spec(1, NH * NK),
        ],
        out_specs=[pl.BlockSpec((BR * C // 128, 128), lambda i: (i, 0)),
                   row_spec(NJ * NH), row_spec(NJ * NH)],
        out_shape=[
            jax.ShapeDtypeStruct((R * C // 128, 128), jnp.float32),
            jax.ShapeDtypeStruct((R, NJ * NH), jnp.int32),
            jax.ShapeDtypeStruct((R, NJ * NH), jnp.float32),
        ],
    )(q2, k2, ref_rows, Wk, Woff_p, WA,
      bk.reshape(1, -1), boff_p.reshape(1, -1), bA.reshape(1, -1))


def _matmul_kernel(br, x_blk, W, b, out):
    x = x_blk[...].reshape(br, W.shape[0])
    out[...] = jnp.dot(x, W[...], preferred_element_type=jnp.float32) + b[...]


def _run_matmul(x12, W, b):
    C = W.shape[0]
    R = x12.shape[0] * 128 // C
    BR = 256
    return pl.pallas_call(
        functools.partial(_matmul_kernel, BR),
        grid=(R // BR,),
        in_specs=[
            pl.BlockSpec((BR * C // 128, 128), lambda i: (i, 0)),
            pl.BlockSpec((C, C), lambda i: (0, 0)),
            pl.BlockSpec((1, C), lambda i: (0, 0)),
        ],
        out_specs=pl.BlockSpec((BR, C), lambda i: (i, 0)),
        out_shape=jax.ShapeDtypeStruct((R, C), jnp.float32),
    )(x12, W, b.reshape(1, -1))


def _make_sample_kernel(BNH, HW, DK, interpret=False):
    HALF = HW // 2
    CHUNK = 64
    NSEG = DK // 16
    mesh = plsc.VectorSubcoreMesh(core_axis_name="c", subcore_axis_name="s",
                                  num_cores=2, num_subcores=16)

    @functools.partial(
        pl.kernel,
        mesh=mesh,
        out_type=jax.ShapeDtypeStruct((BNH, HW, DK), jnp.float32),
        scratch_types=[
            pltpu.VMEM((HW, DK), jnp.float32),
            pltpu.VMEM((HALF, NJ), jnp.int32),
            pltpu.VMEM((HALF, NJ), jnp.float32),
            pltpu.VMEM((2, CHUNK, DK), jnp.float32),
            pltpu.SemaphoreType.DMA,
            pltpu.SemaphoreType.DMA,
        ],
        compiler_params=pltpu.CompilerParams(use_tc_tiling_on_sc=False,
                                             needs_layout_passes=False),
        interpret=interpret,
    )
    def sample(sf_hbm, idx_hbm, wgt_hbm, out_hbm, table_v, idx_v, wgt_v,
               out_v, sem, osem):
        bh = lax.axis_index("s")
        half = lax.axis_index("c")
        b = bh // NH
        nh = bh % NH
        pbase = half * HALF
        rbase = b * HW + pbase
        copies = [
            pltpu.async_copy(
                sf_hbm.at[pl.ds(b * HW, HW), pl.ds(nh * DK, DK)], table_v,
                sem),
            pltpu.async_copy(
                idx_hbm.at[pl.ds(rbase, HALF), pl.ds(nh * NJ, NJ)], idx_v,
                sem),
            pltpu.async_copy(
                wgt_hbm.at[pl.ds(rbase, HALF), pl.ds(nh * NJ, NJ)], wgt_v,
                sem),
        ]
        for cp in copies:
            cp.wait()

        NCH = HALF // CHUNK

        def one_pos(p, buf, prow):
            iv = idx_v[p, :]
            wv = wgt_v[p, :]
            accs = None
            for j in range(NJ):
                row = iv[j]
                w = jnp.full((16,), wv[j])
                segs = [w * table_v[row, pl.ds(16 * c, 16)]
                        for c in range(NSEG)]
                accs = segs if accs is None else \
                    [a + s for a, s in zip(accs, segs)]
            for c in range(NSEG):
                out_v[buf, prow, pl.ds(16 * c, 16)] = accs[c]

        def chunk_body(ci, _):
            buf = lax.rem(ci, 2)

            @pl.when(ci >= 2)
            def _():
                pltpu.make_async_copy(
                    out_v.at[buf], out_hbm.at[bh, pl.ds(pbase, CHUNK), :],
                    osem).wait()

            def pair_body(q, _):
                prow = q * 2
                one_pos(ci * CHUNK + prow, buf, prow)
                one_pos(ci * CHUNK + prow + 1, buf, prow + 1)
                return 0

            lax.fori_loop(0, CHUNK // 2, pair_body, 0)
            pltpu.async_copy(
                out_v.at[buf],
                out_hbm.at[bh, pl.ds(pbase + ci * CHUNK, CHUNK), :], osem)
            return 0

        lax.fori_loop(0, NCH, chunk_body, 0)
        for t in range(min(2, NCH)):
            pltpu.make_async_copy(
                out_v.at[t], out_hbm.at[bh, pl.ds(pbase, CHUNK), :],
                osem).wait()

    return sample


def kernel(query, keys, ref_point, Wq, bq, Wk, bk, Woff, boff, WA, bA, Wm, bm):
    B, H, W, C = query.shape
    HW = H * W
    DK = C // NH
    f32 = jnp.float32

    q2 = query.reshape(B * HW, C)
    k2 = keys.reshape(B * HW, C)
    ref_rows = ref_point.reshape(HW, 2)

    cols = jnp.arange(NH * NK)
    perm = jnp.concatenate([(cols // NK) * (NK * 2) + (cols % NK) * 2,
                            (cols // NK) * (NK * 2) + (cols % NK) * 2 + 1])
    Woff_p = jnp.dot(Wq, Woff, preferred_element_type=f32)[:, perm]
    boff_p = (jnp.dot(bq, Woff, preferred_element_type=f32) + boff)[perm]
    WA_f = jnp.dot(Wq, WA, preferred_element_type=f32)
    bA_f = jnp.dot(bq, WA, preferred_element_type=f32) + bA

    sf, idx, wgt = _run_proj(q2, k2, ref_rows, Wk, bk,
                             Woff_p, boff_p, WA_f, bA_f)

    sf2 = sf.reshape(B * HW, C)
    feat = _make_sample_kernel(B * NH, HW, DK)(sf2, idx, wgt)

    out = _run_matmul(feat.reshape(B * HW * C // 128, 128), Wm, bm)
    return out.reshape(B, H, W, C)

# --- scband reference (transcript-rebuilt; emitter-appended) ---
"""Pipeline reference for scband-deformable-head-attention-27023934226949 (READ-ONLY COPY).

The authoritative reference and input builder live on the scoring server;
editing this copy changes nothing except your own understanding.
"""

import jax, jax.numpy as jnp
import numpy as np

NH = 8
NK = 4
NSCALES = 1


def grid_sample_bilinear_zeros(im, grid):
    # im: [N, C, Hin, Win]; grid: [N, Ho, Wo, 2] in [-1, 1], align_corners=False, padding zeros
    N, C, Hin, Win = im.shape
    x = grid[..., 0]
    y = grid[..., 1]
    ix = ((x + 1.0) * Win - 1.0) / 2.0
    iy = ((y + 1.0) * Hin - 1.0) / 2.0
    ix0 = jnp.floor(ix)
    iy0 = jnp.floor(iy)
    ix1 = ix0 + 1.0
    iy1 = iy0 + 1.0
    wx1 = ix - ix0
    wx0 = 1.0 - wx1
    wy1 = iy - iy0
    wy0 = 1.0 - wy1
    batch = jnp.arange(N)[:, None, None]

    def gather(xx, yy):
        valid = (xx >= 0) & (xx <= Win - 1) & (yy >= 0) & (yy <= Hin - 1)
        xc = jnp.clip(xx, 0, Win - 1).astype(jnp.int32)
        yc = jnp.clip(yy, 0, Hin - 1).astype(jnp.int32)
        vals = im[batch, :, yc, xc]  # [N, Ho, Wo, C]
        return jnp.where(valid[..., None], vals, 0.0)

    out = (gather(ix0, iy0) * (wx0 * wy0)[..., None]
           + gather(ix1, iy0) * (wx1 * wy0)[..., None]
           + gather(ix0, iy1) * (wx0 * wy1)[..., None]
           + gather(ix1, iy1) * (wx1 * wy1)[..., None])
    return jnp.transpose(out, (0, 3, 1, 2))  # [N, C, Ho, Wo]


def _forward(query, keys, ref_point, Wq, bq, Wk, bk, Woff, boff, WA, bA, Wm, bm):
    B, H, W, C = query.shape
    d_k = C // NH
    q = query @ Wq + bq
    offset = (q @ Woff + boff).reshape(B, H, W, NH, NSCALES, NK, 2)
    offset = jnp.transpose(offset, (0, 3, 4, 5, 1, 2, 6)).reshape(B * NH, NSCALES, NK, H, W, 2)
    A = (q @ WA + bA).reshape(B, H, W, NH, NSCALES * NK)
    A = jax.nn.softmax(A, axis=-1)
    A = jnp.transpose(A, (0, 3, 1, 2, 4)).reshape(B * NH, H * W, NSCALES * NK)
    rp = jax.lax.stop_gradient(ref_point)  # torch clones+detaches ref_point
    keys_list = [keys]
    scale_feats = []
    for l in range(NSCALES):
        key_l = keys_list[l]
        hl, wl = key_l.shape[1], key_l.shape[2]
        rrp = jnp.stack([rp[..., 0] * (wl - 1), rp[..., 1] * (hl - 1)], axis=-1)[None]  # [1,H,W,2]
        sf = (key_l @ Wk + bk).reshape(B, hl, wl, NH, d_k)
        sf = jnp.transpose(sf, (0, 3, 4, 1, 2)).reshape(B * NH, d_k, hl, wl)
        k_feats = []
        for ki in range(NK):
            points = rrp + offset[:, l, ki]  # [B*NH, H, W, 2]
            vx = 2.0 * points[..., 0] / max(wl - 1, 1) - 1.0
            vy = 2.0 * points[..., 1] / max(hl - 1, 1) - 1.0
            grid = jnp.stack([vx, vy], axis=3)
            k_feats.append(grid_sample_bilinear_zeros(sf, grid))
        scale_feats.append(jnp.stack(k_feats, axis=1))
    sfeat = jnp.stack(scale_feats, axis=1)  # [B*NH, scales, k, d_k, H, W]
    sfeat = jnp.transpose(sfeat, (0, 4, 5, 3, 1, 2)).reshape(B * NH, H * W, d_k, NSCALES * NK)
    feat = jnp.einsum('nlds,nls->nld', sfeat, A)
    feat = feat.reshape(B, H, W, d_k * NH)  # matches torch contiguous .view
    feat = feat @ Wm + bm
    return feat


def setup_inputs(seed: int = 0):
    key = jax.random.key(seed)
    ks = jax.random.split(key, 12)
    B, H, W, C = 2, 32, 32, 768
    od = 2 * NH * NK * NSCALES
    ad = NH * NK * NSCALES
    query = jax.random.normal(ks[0], (B, H, W, C), dtype=jnp.float32)
    keys = jax.random.normal(ks[1], (B, 32, 32, C), dtype=jnp.float32)
    ref_point = jax.random.uniform(ks[2], (H, W, 2), dtype=jnp.float32)
    Wq = jax.random.normal(ks[3], (C, C), jnp.float32) * 0.02
    bq = jax.random.normal(ks[4], (C,), jnp.float32) * 0.02
    Wk = jax.random.normal(ks[5], (C, C), jnp.float32) * 0.02
    bk = jax.random.normal(ks[6], (C,), jnp.float32) * 0.02
    Woff = jax.random.normal(ks[7], (C, od), jnp.float32) * 0.001
    boff = jax.random.uniform(ks[8], (od,), jnp.float32, -4.0, 4.0)
    WA = jax.random.normal(ks[9], (C, ad), jnp.float32) * 0.02
    bA = jnp.full((ad,), 0.25, jnp.float32)
    Wm = jax.random.normal(ks[10], (C, C), jnp.float32) * 0.02
    bm = jnp.zeros((C,), jnp.float32)
    return {"query": query, "keys": keys, "ref_point": ref_point, "Wq": Wq, "bq": bq, "Wk": Wk, "bk": bk, "Woff": Woff, "boff": boff, "WA": WA, "bA": bA, "Wm": Wm, "bm": bm}


def reference(query, keys, ref_point, Wq, bq, Wk, bk, Woff, boff, WA, bA, Wm, bm):
    return _forward(query, keys, ref_point, Wq, bq, Wk, bk, Woff, boff, WA, bA, Wm, bm)

if __name__ == "__main__":
    import jax
    _d = setup_inputs()
    print(jax.jit(kernel)(*tuple(_d.values())))

</pallas_src>

<mosaic_0001>
#map = affine_map<(d0, d1) -> (0, 0)>
#map1 = affine_map<(d0, d1) -> (0, 0, 0)>
module attributes {stable_mosaic.version = 14 : i64} {
  func.func @sample(%arg0: i32, %arg1: i32, %arg2: memref<2048x768xf32, #tpu.memory_space<hbm>>, %arg3: memref<2048x128xi32, #tpu.memory_space<hbm>>, %arg4: memref<2048x128xf32, #tpu.memory_space<hbm>>, %arg5: memref<16x1024x96xf32, #tpu.memory_space<hbm>>, %arg6: memref<1024x96xf32, #tpu.memory_space<vmem>>, %arg7: memref<512x16xi32, #tpu.memory_space<vmem>>, %arg8: memref<512x16xf32, #tpu.memory_space<vmem>>, %arg9: memref<2x64x96xf32, #tpu.memory_space<vmem>>, %arg10: memref<!tpu.dma_semaphore, #tpu.memory_space<semaphore_mem>>, %arg11: memref<!tpu.dma_semaphore, #tpu.memory_space<semaphore_mem>>) attributes {dimension_semantics = [#tpu.dimension_semantics<core_parallel>, #tpu.dimension_semantics<subcore_parallel>], iteration_bounds = array<i64: 2, 16>, scalar_prefetch = 0 : i64, scratch_operands = 6 : i64, tpu.core_type = #tpu.core_type<sc_vector_subcore>, window_params = [{transform_indices = #map}, {transform_indices = #map}, {transform_indices = #map}, {transform_indices = #map1}]} {
    %jit3A = arith.constant 8 : i32
    %div3A = arith.divsi %arg1, %jit3A : i32
    %sign3A = arith.constant 0 : i32
    %sign3A_0 = arith.cmpi sgt, %arg1, %sign3A : i32
    %sign3A_1 = arith.extui %sign3A_0 : i1 to i32
    %sign3A_2 = arith.constant 0 : i32
    %sign3A_3 = arith.cmpi slt, %arg1, %sign3A_2 : i32
    %sign3A_4 = arith.extui %sign3A_3 : i1 to i32
    %sign3A_5 = arith.subi %sign3A_1, %sign3A_4 : i32
    %sign3A_6 = arith.constant 0 : i32
    %sign3A_7 = arith.cmpi sgt, %jit3A, %sign3A_6 : i32
    %sign3A_8 = arith.extui %sign3A_7 : i1 to i32
    %sign3A_9 = arith.constant 0 : i32
    %sign3A_10 = arith.cmpi slt, %jit3A, %sign3A_9 : i32
    %sign3A_11 = arith.extui %sign3A_10 : i1 to i32
    %sign3A_12 = arith.subi %sign3A_8, %sign3A_11 : i32
    %ne3A = arith.cmpi ne, %sign3A_5, %sign3A_12 : i32
    %rem3A = arith.remsi %arg1, %jit3A : i32
    %ne3A_13 = arith.constant 0 : i32
    %ne3A_14 = arith.cmpi ne, %rem3A, %ne3A_13 : i32
    %and3A = arith.andi %ne3A, %ne3A_14 : i1
    %sub3A = arith.constant 1 : i32
    %sub3A_15 = arith.subi %div3A, %sub3A : i32
    %select_n3A = arith.select %and3A, %sub3A_15, %div3A : i32
    %jit3A_16 = arith.constant 8 : i32
    %eq3A = arith.constant 0 : i32
    %eq3A_17 = arith.cmpi eq, %jit3A_16, %eq3A : i32
    %jit3A_18 = arith.constant 1 : i32
    %select_n3A_19 = arith.select %eq3A_17, %jit3A_18, %jit3A_16 : i32
    %rem3A_20 = arith.remsi %arg1, %select_n3A_19 : i32
    %ne3A_21 = arith.constant 0 : i32
    %ne3A_22 = arith.cmpi ne, %rem3A_20, %ne3A_21 : i32
    %lt3A = arith.constant 0 : i32
    %lt3A_23 = arith.cmpi slt, %rem3A_20, %lt3A : i32
    %lt3A_24 = arith.constant 0 : i32
    %lt3A_25 = arith.cmpi slt, %select_n3A_19, %lt3A_24 : i32
    %ne3A_26 = arith.xori %lt3A_23, %lt3A_25 : i1
    %and3A_27 = arith.andi %ne3A_26, %ne3A_22 : i1
    %add3A = arith.addi %rem3A_20, %select_n3A_19 : i32
    %select_n3A_28 = arith.select %and3A_27, %add3A, %rem3A_20 : i32
    %mul3A = arith.constant 512 : i32
    %mul3A_29 = arith.muli %arg0, %mul3A : i32
    %mul3A_30 = arith.constant 1024 : i32
    %mul3A_31 = arith.muli %select_n3A, %mul3A_30 : i32
    %add3A_32 = arith.addi %mul3A_31, %mul3A_29 : i32
    %mul3A_33 = arith.constant 1024 : i32
    %mul3A_34 = arith.muli %select_n3A, %mul3A_33 : i32
    %mul3A_35 = arith.constant 96 : i32
    %mul3A_36 = arith.muli %select_n3A_28, %mul3A_35 : i32
    %dma_start3A = tpu.memref_slice %arg2[%mul3A_34, %mul3A_36] : memref<2048x768xf32, #tpu.memory_space<hbm>> -> memref<1024x96xf32, #tpu.memory_space<hbm>>
    %dma_start3A_37 = tpu.memref_slice %arg2[%mul3A_34, %mul3A_36] : memref<2048x768xf32, #tpu.memory_space<hbm>> -> memref<1024x96xf32, #tpu.memory_space<hbm>>
    tpu.enqueue_dma source(%dma_start3A_37 : memref<1024x96xf32, #tpu.memory_space<hbm>>) target(%arg6 : memref<1024x96xf32, #tpu.memory_space<vmem>>) target_semaphore(%arg10 : memref<!tpu.dma_semaphore, #tpu.memory_space<semaphore_mem>>)
    %mul3A_38 = arith.constant 16 : i32
    %mul3A_39 = arith.muli %select_n3A_28, %mul3A_38 : i32
    %dma_start3A_40 = tpu.memref_slice %arg3[%add3A_32, %mul3A_39] : memref<2048x128xi32, #tpu.memory_space<hbm>> -> memref<512x16xi32, #tpu.memory_space<hbm>>
    %dma_start3A_41 = tpu.memref_slice %arg3[%add3A_32, %mul3A_39] : memref<2048x128xi32, #tpu.memory_space<hbm>> -> memref<512x16xi32, #tpu.memory_space<hbm>>
    tpu.enqueue_dma source(%dma_start3A_41 : memref<512x16xi32, #tpu.memory_space<hbm>>) target(%arg7 : memref<512x16xi32, #tpu.memory_space<vmem>>) target_semaphore(%arg10 : memref<!tpu.dma_semaphore, #tpu.memory_space<semaphore_mem>>)
    %mul3A_42 = arith.constant 16 : i32
    %mul3A_43 = arith.muli %select_n3A_28, %mul3A_42 : i32
    %dma_start3A_44 = tpu.memref_slice %arg4[%add3A_32, %mul3A_43] : memref<2048x128xf32, #tpu.memory_space<hbm>> -> memref<512x16xf32, #tpu.memory_space<hbm>>
    %dma_start3A_45 = tpu.memref_slice %arg4[%add3A_32, %mul3A_43] : memref<2048x128xf32, #tpu.memory_space<hbm>> -> memref<512x16xf32, #tpu.memory_space<hbm>>
    tpu.enqueue_dma source(%dma_start3A_45 : memref<512x16xf32, #tpu.memory_space<hbm>>) target(%arg8 : memref<512x16xf32, #tpu.memory_space<vmem>>) target_semaphore(%arg10 : memref<!tpu.dma_semaphore, #tpu.memory_space<semaphore_mem>>)
    %dma_wait3A = tpu.memref_slice %arg2[%mul3A_34, %mul3A_36] : memref<2048x768xf32, #tpu.memory_space<hbm>> -> memref<1024x96xf32, #tpu.memory_space<hbm>>
    %dma_wait3A_46 = tpu.memref_slice %arg2[%mul3A_34, %mul3A_36] : memref<2048x768xf32, #tpu.memory_space<hbm>> -> memref<1024x96xf32, #tpu.memory_space<hbm>>
    tpu.wait_dma2 semaphore(%arg10 : memref<!tpu.dma_semaphore, #tpu.memory_space<semaphore_mem>>) src(%dma_wait3A_46 : memref<1024x96xf32, #tpu.memory_space<hbm>>) dst(%arg6 : memref<1024x96xf32, #tpu.memory_space<vmem>>)
    %dma_wait3A_47 = tpu.memref_slice %arg3[%add3A_32, %mul3A_39] : memref<2048x128xi32, #tpu.memory_space<hbm>> -> memref<512x16xi32, #tpu.memory_space<hbm>>
    %dma_wait3A_48 = tpu.memref_slice %arg3[%add3A_32, %mul3A_39] : memref<2048x128xi32, #tpu.memory_space<hbm>> -> memref<512x16xi32, #tpu.memory_space<hbm>>
    tpu.wait_dma2 semaphore(%arg10 : memref<!tpu.dma_semaphore, #tpu.memory_space<semaphore_mem>>) src(%dma_wait3A_48 : memref<512x16xi32, #tpu.memory_space<hbm>>) dst(%arg7 : memref<512x16xi32, #tpu.memory_space<vmem>>)
    %dma_wait3A_49 = tpu.memref_slice %arg4[%add3A_32, %mul3A_43] : memref<2048x128xf32, #tpu.memory_space<hbm>> -> memref<512x16xf32, #tpu.memory_space<hbm>>
    %dma_wait3A_50 = tpu.memref_slice %arg4[%add3A_32, %mul3A_43] : memref<2048x128xf32, #tpu.memory_space<hbm>> -> memref<512x16xf32, #tpu.memory_space<hbm>>
    tpu.wait_dma2 semaphore(%arg10 : memref<!tpu.dma_semaphore, #tpu.memory_space<semaphore_mem>>) src(%dma_wait3A_50 : memref<512x16xf32, #tpu.memory_space<hbm>>) dst(%arg8 : memref<512x16xf32, #tpu.memory_space<vmem>>)
    %scan3A = arith.constant 0 : i32
    %scan3A_51 = arith.constant 0 : i32
    %scan3A_52 = arith.constant 8 : i32
    %scan3A_53 = arith.addi %scan3A_51, %scan3A_52 : i32
    %scan3A_54 = arith.constant 1 : i32
    %scan3A_55 = scf.for %scan3A_87 = %scan3A_51 to %scan3A_53 step %scan3A_54 iter_args(%scan3A_88 = %scan3A) -> (i32)  : i32 {
      %rem3A_89 = arith.constant 2 : i32
      %rem3A_90 = arith.remsi %scan3A_87, %rem3A_89 : i32
      %ge3A = arith.constant 2 : i32
      %ge3A_91 = arith.cmpi sge, %scan3A_87, %ge3A : i32
      %convert_element_type3A = arith.extui %ge3A_91 : i1 to i32
      %cond3A = arith.constant 0 : i32
      %cond3A_92 = arith.cmpi ne, %convert_element_type3A, %cond3A : i32
      scf.if %cond3A_92 {
        %dma_wait3A_118 = arith.constant 0 : i32
        %dma_wait3A_119 = arith.constant 0 : i32
        %dma_wait3A_120 = tpu.memref_slice %arg9[%rem3A_90, %dma_wait3A_118, %dma_wait3A_119] : memref<2x64x96xf32, #tpu.memory_space<vmem>> -> memref<1x64x96xf32, #tpu.memory_space<vmem>>
        %dma_wait3A_121 = tpu.memref_squeeze %dma_wait3A_120 : memref<1x64x96xf32, #tpu.memory_space<vmem>> -> memref<64x96xf32, #tpu.memory_space<vmem>>
        %dma_wait3A_122 = arith.constant 0 : i32
        %dma_wait3A_123 = tpu.memref_slice %arg5[%arg1, %mul3A_29, %dma_wait3A_122] : memref<16x1024x96xf32, #tpu.memory_space<hbm>> -> memref<1x64x96xf32, #tpu.memory_space<hbm>>
        %dma_wait3A_124 = tpu.memref_squeeze %dma_wait3A_123 : memref<1x64x96xf32, #tpu.memory_space<hbm>> -> memref<64x96xf32, #tpu.memory_space<hbm>>
        %dma_wait3A_125 = arith.constant 0 : i32
        %dma_wait3A_126 = tpu.memref_slice %arg5[%arg1, %mul3A_29, %dma_wait3A_125] : memref<16x1024x96xf32, #tpu.memory_space<hbm>> -> memref<1x64x96xf32, #tpu.memory_space<hbm>>
        %dma_wait3A_127 = tpu.memref_squeeze %dma_wait3A_126 : memref<1x64x96xf32, #tpu.memory_space<hbm>> -> memref<64x96xf32, #tpu.memory_space<hbm>>
        %dma_wait3A_128 = arith.constant 0 : i32
        %dma_wait3A_129 = arith.constant 0 : i32
        %dma_wait3A_130 = tpu.memref_slice %arg9[%rem3A_90, %dma_wait3A_128, %dma_wait3A_129] : memref<2x64x96xf32, #tpu.memory_space<vmem>> -> memref<1x64x96xf32, #tpu.memory_space<vmem>>
        %dma_wait3A_131 = tpu.memref_squeeze %dma_wait3A_130 : memref<1x64x96xf32, #tpu.memory_space<vmem>> -> memref<64x96xf32, #tpu.memory_space<vmem>>
        tpu.wait_dma2 semaphore(%arg11 : memref<!tpu.dma_semaphore, #tpu.memory_space<semaphore_mem>>) src(%dma_wait3A_131 : memref<64x96xf32, #tpu.memory_space<vmem>>) dst(%dma_wait3A_127 : memref<64x96xf32, #tpu.memory_space<hbm>>)
      } else {
      }
      %scan3A_93 = arith.constant 0 : i32
      %scan3A_94 = arith.constant 0 : i32
      %scan3A_95 = arith.constant 32 : i32
      %scan3A_96 = arith.addi %scan3A_94, %scan3A_95 : i32
      %scan3A_97 = arith.constant 1 : i32
      %scan3A_98 = scf.for %scan3A_118 = %scan3A_94 to %scan3A_96 step %scan3A_97 iter_args(%scan3A_119 = %scan3A_93) -> (i32)  : i32 {
        %mul3A_120 = arith.constant 2 : i32
        %mul3A_121 = arith.muli %scan3A_118, %mul3A_120 : i32
        %mul3A_122 = arith.constant 64 : i32
        %mul3A_123 = arith.muli %scan3A_87, %mul3A_122 : i32
        %add3A_124 = arith.addi %mul3A_123, %mul3A_121 : i32
        %get3A = arith.index_cast %add3A_124 : i32 to index
        %get3A_125 = arith.constant 0 : index
        %get3A_126 = tpu.vector_load %arg7[%get3A, %get3A_125] {strides = array<i32>} : memref<512x16xi32, #tpu.memory_space<vmem>>, vector<16xi32>,
        %get3A_127 = arith.index_cast %add3A_124 : i32 to index
        %get3A_128 = arith.constant 0 : index
        %get3A_129 = tpu.vector_load %arg8[%get3A_127, %get3A_128] {strides = array<i32>} : memref<512x16xf32, #tpu.memory_space<vmem>>, vector<16xf32>,
        %slice3A = vector.extract_strided_slice %get3A_126 {offsets = [0], sizes = [1], strides = [1]} : vector<16xi32> to vector<1xi32>
        %squeeze3A = vector.extract %slice3A[0] : i32 from vector<1xi32>
        %slice3A_130 = vector.extract_strided_slice %get3A_129 {offsets = [0], sizes = [1], strides = [1]} : vector<16xf32> to vector<1xf32>
        %squeeze3A_131 = vector.extract %slice3A_130[0] : f32 from vector<1xf32>
        %broadcast_in_dim3A = vector.broadcast %squeeze3A_131 : f32 to vector<16xf32>
        %get3A_132 = arith.index_cast %squeeze3A : i32 to index
        %get3A_133 = arith.constant 0 : index
        %get3A_134 = tpu.vector_load %arg6[%get3A_132, %get3A_133] {strides = array<i32>} : memref<1024x96xf32, #tpu.memory_space<vmem>>, vector<16xf32>,
        %mul3A_135 = arith.mulf %broadcast_in_dim3A, %get3A_134 : vector<16xf32>
        %get3A_136 = arith.index_cast %squeeze3A : i32 to index
        %get3A_137 = arith.constant 16 : index
        %get3A_138 = tpu.vector_load %arg6[%get3A_136, %get3A_137] {strides = array<i32>} : memref<1024x96xf32, #tpu.memory_space<vmem>>, vector<16xf32>,
        %mul3A_139 = arith.mulf %broadcast_in_dim3A, %get3A_138 : vector<16xf32>
        %get3A_140 = arith.index_cast %squeeze3A : i32 to index
        %get3A_141 = arith.constant 32 : index
        %get3A_142 = tpu.vector_load %arg6[%get3A_140, %get3A_141] {strides = array<i32>} : memref<1024x96xf32, #tpu.memory_space<vmem>>, vector<16xf32>,
        %mul3A_143 = arith.mulf %broadcast_in_dim3A, %get3A_142 : vector<16xf32>
        %get3A_144 = arith.index_cast %squeeze3A : i32 to index
        %get3A_145 = arith.constant 48 : index
        %get3A_146 = tpu.vector_load %arg6[%get3A_144, %get3A_145] {strides = array<i32>} : memref<1024x96xf32, #tpu.memory_space<vmem>>, vector<16xf32>,
        %mul3A_147 = arith.mulf %broadcast_in_dim3A, %get3A_146 : vector<16xf32>
        %get3A_148 = arith.index_cast %squeeze3A : i32 to index
        %get3A_149 = arith.constant 64 : index
        %get3A_150 = tpu.vector_load %arg6[%get3A_148, %get3A_149] {strides = array<i32>} : memref<1024x96xf32, #tpu.memory_space<vmem>>, vector<16xf32>,
        %mul3A_151 = arith.mulf %broadcast_in_dim3A, %get3A_150 : vector<16xf32>
        %get3A_152 = arith.index_cast %squeeze3A : i32 to index
        %get3A_153 = arith.constant 80 : index
        %get3A_154 = tpu.vector_load %arg6[%get3A_152, %get3A_153] {strides = array<i32>} : memref<1024x96xf32, #tpu.memory_space<vmem>>, vector<16xf32>,
        %mul3A_155 = arith.mulf %broadcast_in_dim3A, %get3A_154 : vector<16xf32>
        %slice3A_156 = vector.extract_strided_slice %get3A_126 {offsets = [1], sizes = [1], strides = [1]} : vector<16xi32> to vector<1xi32>
        %squeeze3A_157 = vector.extract %slice3A_156[0] : i32 from vector<1xi32>
        %slice3A_158 = vector.extract_strided_slice %get3A_129 {offsets = [1], sizes = [1], strides = [1]} : vector<16xf32> to vector<1xf32>
        %squeeze3A_159 = vector.extract %slice3A_158[0] : f32 from vector<1xf32>
        %broadcast_in_dim3A_160 = vector.broadcast %squeeze3A_159 : f32 to vector<16xf32>
        %get3A_161 = arith.index_cast %squeeze3A_157 : i32 to index
        %get3A_162 = arith.constant 0 : index
        %get3A_163 = tpu.vector_load %arg6[%get3A_161, %get3A_162] {strides = array<i32>} : memref<1024x96xf32, #tpu.memory_space<vmem>>, vector<16xf32>,
        %mul3A_164 = arith.mulf %broadcast_in_dim3A_160, %get3A_163 : vector<16xf32>
        %get3A_165 = arith.index_cast %squeeze3A_157 : i32 to index
        %get3A_166 = arith.constant 16 : index
        %get3A_167 = tpu.vector_load %arg6[%get3A_165, %get3A_166] {strides = array<i32>} : memref<1024x96xf32, #tpu.memory_space<vmem>>, vector<16xf32>,
        %mul3A_168 = arith.mulf %broadcast_in_dim3A_160, %get3A_167 : vector<16xf32>
        %get3A_169 = arith.index_cast %squeeze3A_157 : i32 to index
        %get3A_170 = arith.constant 32 : index
        %get3A_171 = tpu.vector_load %arg6[%get3A_169, %get3A_170] {strides = array<i32>} : memref<1024x96xf32, #tpu.memory_space<vmem>>, vector<16xf32>,
        %mul3A_172 = arith.mulf %broadcast_in_dim3A_160, %get3A_171 : vector<16xf32>
        %get3A_173 = arith.index_cast %squeeze3A_157 : i32 to index
        %get3A_174 = arith.constant 48 : index
        %get3A_175 = tpu.vector_load %arg6[%get3A_173, %get3A_174] {strides = array<i32>} : memref<1024x96xf32, #tpu.memory_space<vmem>>, vector<16xf32>,
        %mul3A_176 = arith.mulf %broadcast_in_dim3A_160, %get3A_175 : vector<16xf32>
        %get3A_177 = arith.index_cast %squeeze3A_157 : i32 to index
        %get3A_178 = arith.constant 64 : index
        %get3A_179 = tpu.vector_load %arg6[%get3A_177, %get3A_178] {strides = array<i32>} : memref<1024x96xf32, #tpu.memory_space<vmem>>, vector<16xf32>,
        %mul3A_180 = arith.mulf %broadcast_in_dim3A_160, %get3A_179 : vector<16xf32>
        %get3A_181 = arith.index_cast %squeeze3A_157 : i32 to index
        %get3A_182 = arith.constant 80 : index
        %get3A_183 = tpu.vector_load %arg6[%get3A_181, %get3A_182] {strides = array<i32>} : memref<1024x96xf32, #tpu.memory_space<vmem>>, vector<16xf32>,
        %mul3A_184 = arith.mulf %broadcast_in_dim3A_160, %get3A_183 : vector<16xf32>
        %add3A_185 = arith.addf %mul3A_135, %mul3A_164 : vector<16xf32>
        %add3A_186 = arith.addf %mul3A_139, %mul3A_168 : vector<16xf32>
        %add3A_187 = arith.addf %mul3A_143, %mul3A_172 : vector<16xf32>
        %add3A_188 = arith.addf %mul3A_147, %mul3A_176 : vector<16xf32>
        %add3A_189 = arith.addf %mul3A_151, %mul3A_180 : vector<16xf32>
        %add3A_190 = arith.addf %mul3A_155, %mul3A_184 : vector<16xf32>
        %slice3A_191 = vector.extract_strided_slice %get3A_126 {offsets = [2], sizes = [1], strides = [1]} : vector<16xi32> to vector<1xi32>
        %squeeze3A_192 = vector.extract %slice3A_191[0] : i32 from vector<1xi32>
        %slice3A_193 = vector.extract_strided_slice %get3A_129 {offsets = [2], sizes = [1], strides = [1]} : vector<16xf32> to vector<1xf32>
        %squeeze3A_194 = vector.extract %slice3A_193[0] : f32 from vector<1xf32>
        %broadcast_in_dim3A_195 = vector.broadcast %squeeze3A_194 : f32 to vector<16xf32>
        %get3A_196 = arith.index_cast %squeeze3A_192 : i32 to index
        %get3A_197 = arith.constant 0 : index
        %get3A_198 = tpu.vector_load %arg6[%get3A_196, %get3A_197] {strides = array<i32>} : memref<1024x96xf32, #tpu.memory_space<vmem>>, vector<16xf32>,
        %mul3A_199 = arith.mulf %broadcast_in_dim3A_195, %get3A_198 : vector<16xf32>
        %get3A_200 = arith.index_cast %squeeze3A_192 : i32 to index
        %get3A_201 = arith.constant 16 : index
        %get3A_202 = tpu.vector_load %arg6[%get3A_200, %get3A_201] {strides = array<i32>} : memref<1024x96xf32, #tpu.memory_space<vmem>>, vector<16xf32>,
        %mul3A_203 = arith.mulf %broadcast_in_dim3A_195, %get3A_202 : vector<16xf32>
        %get3A_204 = arith.index_cast %squeeze3A_192 : i32 to index
        %get3A_205 = arith.constant 32 : index
        %get3A_206 = tpu.vector_load %arg6[%get3A_204, %get3A_205] {strides = array<i32>} : memref<1024x96xf32, #tpu.memory_space<vmem>>, vector<16xf32>,
        %mul3A_207 = arith.mulf %broadcast_in_dim3A_195, %get3A_206 : vector<16xf32>
        %get3A_208 = arith.index_cast %squeeze3A_192 : i32 to index
        %get3A_209 = arith.constant 48 : index
        %get3A_210 = tpu.vector_load %arg6[%get3A_208, %get3A_209] {strides = array<i32>} : memref<1024x96xf32, #tpu.memory_space<vmem>>, vector<16xf32>,
        %mul3A_211 = arith.mulf %broadcast_in_dim3A_195, %get3A_210 : vector<16xf32>
        %get3A_212 = arith.index_cast %squeeze3A_192 : i32 to index
        %get3A_213 = arith.constant 64 : index
        %get3A_214 = tpu.vector_load %arg6[%get3A_212, %get3A_213] {strides = array<i32>} : memref<1024x96xf32, #tpu.memory_space<vmem>>, vector<16xf32>,
        %mul3A_215 = arith.mulf %broadcast_in_dim3A_195, %get3A_214 : vector<16xf32>
        %get3A_216 = arith.index_cast %squeeze3A_192 : i32 to index
        %get3A_217 = arith.constant 80 : index
        %get3A_218 = tpu.vector_load %arg6[%get3A_216, %get3A_217] {strides = array<i32>} : memref<1024x96xf32, #tpu.memory_space<vmem>>, vector<16xf32>,
        %mul3A_219 = arith.mulf %broadcast_in_dim3A_195, %get3A_218 : vector<16xf32>
        %add3A_220 = arith.addf %add3A_185, %mul3A_199 : vector<16xf32>
        %add3A_221 = arith.addf %add3A_186, %mul3A_203 : vector<16xf32>
        %add3A_222 = arith.addf %add3A_187, %mul3A_207 : vector<16xf32>
        %add3A_223 = arith.addf %add3A_188, %mul3A_211 : vector<16xf32>
        %add3A_224 = arith.addf %add3A_189, %mul3A_215 : vector<16xf32>
        %add3A_225 = arith.addf %add3A_190, %mul3A_219 : vector<16xf32>
        %slice3A_226 = vector.extract_strided_slice %get3A_126 {offsets = [3], sizes = [1], strides = [1]} : vector<16xi32> to vector<1xi32>
        %squeeze3A_227 = vector.extract %slice3A_226[0] : i32 from vector<1xi32>
        %slice3A_228 = vector.extract_strided_slice %get3A_129 {offsets = [3], sizes = [1], strides = [1]} : vector<16xf32> to vector<1xf32>
        %squeeze3A_229 = vector.extract %slice3A_228[0] : f32 from vector<1xf32>
        %broadcast_in_dim3A_230 = vector.broadcast %squeeze3A_229 : f32 to vector<16xf32>
        %get3A_231 = arith.index_cast %squeeze3A_227 : i32 to index
        %get3A_232 = arith.constant 0 : index
        %get3A_233 = tpu.vector_load %arg6[%get3A_231, %get3A_232] {strides = array<i32>} : memref<1024x96xf32, #tpu.memory_space<vmem>>, vector<16xf32>,
        %mul3A_234 = arith.mulf %broadcast_in_dim3A_230, %get3A_233 : vector<16xf32>
        %get3A_235 = arith.index_cast %squeeze3A_227 : i32 to index
        %get3A_236 = arith.constant 16 : index
        %get3A_237 = tpu.vector_load %arg6[%get3A_235, %get3A_236] {strides = array<i32>} : memref<1024x96xf32, #tpu.memory_space<vmem>>, vector<16xf32>,
        %mul3A_238 = arith.mulf %broadcast_in_dim3A_230, %get3A_237 : vector<16xf32>
        %get3A_239 = arith.index_cast %squeeze3A_227 : i32 to index
        %get3A_240 = arith.constant 32 : index
        %get3A_241 = tpu.vector_load %arg6[%get3A_239, %get3A_240] {strides = array<i32>} : memref<1024x96xf32, #tpu.memory_space<vmem>>, vector<16xf32>,
        %mul3A_242 = arith.mulf %broadcast_in_dim3A_230, %get3A_241 : vector<16xf32>
        %get3A_243 = arith.index_cast %squeeze3A_227 : i32 to index
        %get3A_244 = arith.constant 48 : index
        %get3A_245 = tpu.vector_load %arg6[%get3A_243, %get3A_244] {strides = array<i32>} : memref<1024x96xf32, #tpu.memory_space<vmem>>, vector<16xf32>,
        %mul3A_246 = arith.mulf %broadcast_in_dim3A_230, %get3A_245 : vector<16xf32>
        %get3A_247 = arith.index_cast %squeeze3A_227 : i32 to index
        %get3A_248 = arith.constant 64 : index
        %get3A_249 = tpu.vector_load %arg6[%get3A_247, %get3A_248] {strides = array<i32>} : memref<1024x96xf32, #tpu.memory_space<vmem>>, vector<16xf32>,
        %mul3A_250 = arith.mulf %broadcast_in_dim3A_230, %get3A_249 : vector<16xf32>
        %get3A_251 = arith.index_cast %squeeze3A_227 : i32 to index
        %get3A_252 = arith.constant 80 : index
        %get3A_253 = tpu.vector_load %arg6[%get3A_251, %get3A_252] {strides = array<i32>} : memref<1024x96xf32, #tpu.memory_space<vmem>>, vector<16xf32>,
        %mul3A_254 = arith.mulf %broadcast_in_dim3A_230, %get3A_253 : vector<16xf32>
        %add3A_255 = arith.addf %add3A_220, %mul3A_234 : vector<16xf32>
        %add3A_256 = arith.addf %add3A_221, %mul3A_238 : vector<16xf32>
        %add3A_257 = arith.addf %add3A_222, %mul3A_242 : vector<16xf32>
        %add3A_258 = arith.addf %add3A_223, %mul3A_246 : vector<16xf32>
        %add3A_259 = arith.addf %add3A_224, %mul3A_250 : vector<16xf32>
        %add3A_260 = arith.addf %add3A_225, %mul3A_254 : vector<16xf32>
        %slice3A_261 = vector.extract_strided_slice %get3A_126 {offsets = [4], sizes = [1], strides = [1]} : vector<16xi32> to vector<1xi32>
        %squeeze3A_262 = vector.extract %slice3A_261[0] : i32 from vector<1xi32>
        %slice3A_263 = vector.extract_strided_slice %get3A_129 {offsets = [4], sizes = [1], strides = [1]} : vector<16xf32> to vector<1xf32>
        %squeeze3A_264 = vector.extract %slice3A_263[0] : f32 from vector<1xf32>
        %broadcast_in_dim3A_265 = vector.broadcast %squeeze3A_264 : f32 to vector<16xf32>
        %get3A_266 = arith.index_cast %squeeze3A_262 : i32 to index
        %get3A_267 = arith.constant 0 : index
        %get3A_268 = tpu.vector_load %arg6[%get3A_266, %get3A_267] {strides = array<i32>} : memref<1024x96xf32, #tpu.memory_space<vmem>>, vector<16xf32>,
        %mul3A_269 = arith.mulf %broadcast_in_dim3A_265, %get3A_268 : vector<16xf32>
        %get3A_270 = arith.index_cast %squeeze3A_262 : i32 to index
        %get3A_271 = arith.constant 16 : index
        %get3A_272 = tpu.vector_load %arg6[%get3A_270, %get3A_271] {strides = array<i32>} : memref<1024x96xf32, #tpu.memory_space<vmem>>, vector<16xf32>,
        %mul3A_273 = arith.mulf %broadcast_in_dim3A_265, %get3A_272 : vector<16xf32>
        %get3A_274 = arith.index_cast %squeeze3A_262 : i32 to index
        %get3A_275 = arith.constant 32 : index
        %get3A_276 = tpu.vector_load %arg6[%get3A_274, %get3A_275] {strides = array<i32>} : memref<1024x96xf32, #tpu.memory_space<vmem>>, vector<16xf32>,
        %mul3A_277 = arith.mulf %broadcast_in_dim3A_265, %get3A_276 : vector<16xf32>
        %get3A_278 = arith.index_cast %squeeze3A_262 : i32 to index
        %get3A_279 = arith.constant 48 : index
        %get3A_280 = tpu.vector_load %arg6[%get3A_278, %get3A_279] {strides = array<i32>} : memref<1024x96xf32, #tpu.memory_space<vmem>>, vector<16xf32>,
        %mul3A_281 = arith.mulf %broadcast_in_dim3A_265, %get3A_280 : vector<16xf32>
        %get3A_282 = arith.index_cast %squeeze3A_262 : i32 to index
        %get3A_283 = arith.constant 64 : index
        %get3A_284 = tpu.vector_load %arg6[%get3A_282, %get3A_283] {strides = array<i32>} : memref<1024x96xf32, #tpu.memory_space<vmem>>, vector<16xf32>,
        %mul3A_285 = arith.mulf %broadcast_in_dim3A_265, %get3A_284 : vector<16xf32>
        %get3A_286 = arith.index_cast %squeeze3A_262 : i32 to index
        %get3A_287 = arith.constant 80 : index
        %get3A_288 = tpu.vector_load %arg6[%get3A_286, %get3A_287] {strides = array<i32>} : memref<1024x96xf32, #tpu.memory_space<vmem>>, vector<16xf32>,
        %mul3A_289 = arith.mulf %broadcast_in_dim3A_265, %get3A_288 : vector<16xf32>
        %add3A_290 = arith.addf %add3A_255, %mul3A_269 : vector<16xf32>
        %add3A_291 = arith.addf %add3A_256, %mul3A_273 : vector<16xf32>
        %add3A_292 = arith.addf %add3A_257, %mul3A_277 : vector<16xf32>
        %add3A_293 = arith.addf %add3A_258, %mul3A_281 : vector<16xf32>
        %add3A_294 = arith.addf %add3A_259, %mul3A_285 : vector<16xf32>
        %add3A_295 = arith.addf %add3A_260, %mul3A_289 : vector<16xf32>
        %slice3A_296 = vector.extract_strided_slice %get3A_126 {offsets = [5], sizes = [1], strides = [1]} : vector<16xi32> to vector<1xi32>
        %squeeze3A_297 = vector.extract %slice3A_296[0] : i32 from vector<1xi32>
        %slice3A_298 = vector.extract_strided_slice %get3A_129 {offsets = [5], sizes = [1], strides = [1]} : vector<16xf32> to vector<1xf32>
        %squeeze3A_299 = vector.extract %slice3A_298[0] : f32 from vector<1xf32>
        %broadcast_in_dim3A_300 = vector.broadcast %squeeze3A_299 : f32 to vector<16xf32>
        %get3A_301 = arith.index_cast %squeeze3A_297 : i32 to index
        %get3A_302 = arith.constant 0 : index
        %get3A_303 = tpu.vector_load %arg6[%get3A_301, %get3A_302] {strides = array<i32>} : memref<1024x96xf32, #tpu.memory_space<vmem>>, vector<16xf32>,
        %mul3A_304 = arith.mulf %broadcast_in_dim3A_300, %get3A_303 : vector<16xf32>
        %get3A_305 = arith.index_cast %squeeze3A_297 : i32 to index
        %get3A_306 = arith.constant 16 : index
        %get3A_307 = tpu.vector_load %arg6[%get3A_305, %get3A_306] {strides = array<i32>} : memref<1024x96xf32, #tpu.memory_space<vmem>>, vector<16xf32>,
        %mul3A_308 = arith.mulf %broadcast_in_dim3A_300, %get3A_307 : vector<16xf32>
        %get3A_309 = arith.index_cast %squeeze3A_297 : i32 to index
        %get3A_310 = arith.constant 32 : index
        %get3A_311 = tpu.vector_load %arg6[%get3A_309, %get3A_310] {strides = array<i32>} : memref<1024x96xf32, #tpu.memory_space<vmem>>, vector<16xf32>,
        %mul3A_312 = arith.mulf %broadcast_in_dim3A_300, %get3A_311 : vector<16xf32>
        %get3A_313 = arith.index_cast %squeeze3A_297 : i32 to index
        %get3A_314 = arith.constant 48 : index
        %get3A_315 = tpu.vector_load %arg6[%get3A_313, %get3A_314] {strides = array<i32>} : memref<1024x96xf32, #tpu.memory_space<vmem>>, vector<16xf32>,
        %mul3A_316 = arith.mulf %broadcast_in_dim3A_300, %get3A_315 : vector<16xf32>
        %get3A_317 = arith.index_cast %squeeze3A_297 : i32 to index
        %get3A_318 = arith.constant 64 : index
        %get3A_319 = tpu.vector_load %arg6[%get3A_317, %get3A_318] {strides = array<i32>} : memref<1024x96xf32, #tpu.memory_space<vmem>>, vector<16xf32>,
        %mul3A_320 = arith.mulf %broadcast_in_dim3A_300, %get3A_319 : vector<16xf32>
        %get3A_321 = arith.index_cast %squeeze3A_297 : i32 to index
        %get3A_322 = arith.constant 80 : index
        %get3A_323 = tpu.vector_load %arg6[%get3A_321, %get3A_322] {strides = array<i32>} : memref<1024x96xf32, #tpu.memory_space<vmem>>, vector<16xf32>,
        %mul3A_324 = arith.mulf %broadcast_in_dim3A_300, %get3A_323 : vector<16xf32>
        %add3A_325 = arith.addf %add3A_290, %mul3A_304 : vector<16xf32>
        %add3A_326 = arith.addf %add3A_291, %mul3A_308 : vector<16xf32>
        %add3A_327 = arith.addf %add3A_292, %mul3A_312 : vector<16xf32>
        %add3A_328 = arith.addf %add3A_293, %mul3A_316 : vector<16xf32>
        %add3A_329 = arith.addf %add3A_294, %mul3A_320 : vector<16xf32>
        %add3A_330 = arith.addf %add3A_295, %mul3A_324 : vector<16xf32>
        %slice3A_331 = vector.extract_strided_slice %get3A_126 {offsets = [6], sizes = [1], strides = [1]} : vector<16xi32> to vector<1xi32>
        %squeeze3A_332 = vector.extract %slice3A_331[0] : i32 from vector<1xi32>
        %slice3A_333 = vector.extract_strided_slice %get3A_129 {offsets = [6], sizes = [1], strides = [1]} : vector<16xf32> to vector<1xf32>
        %squeeze3A_334 = vector.extract %slice3A_333[0] : f32 from vector<1xf32>
        %broadcast_in_dim3A_335 = vector.broadcast %squeeze3A_334 : f32 to vector<16xf32>
        %get3A_336 = arith.index_cast %squeeze3A_332 : i32 to index
        %get3A_337 = arith.constant 0 : index
        %get3A_338 = tpu.vector_load %arg6[%get3A_336, %get3A_337] {strides = array<i32>} : memref<1024x96xf32, #tpu.memory_space<vmem>>, vector<16xf32>,
        %mul3A_339 = arith.mulf %broadcast_in_dim3A_335, %get3A_338 : vector<16xf32>
        %get3A_340 = arith.index_cast %squeeze3A_332 : i32 to index
        %get3A_341 = arith.constant 16 : index
        %get3A_342 = tpu.vector_load %arg6[%get3A_340, %get3A_341] {strides = array<i32>} : memref<1024x96xf32, #tpu.memory_space<vmem>>, vector<16xf32>,
        %mul3A_343 = arith.mulf %broadcast_in_dim3A_335, %get3A_342 : vector<16xf32>
        %get3A_344 = arith.index_cast %squeeze3A_332 : i32 to index
        %get3A_345 = arith.constant 32 : index
        %get3A_346 = tpu.vector_load %arg6[%get3A_344, %get3A_345] {strides = array<i32>} : memref<1024x96xf32, #tpu.memory_space<vmem>>, vector<16xf32>,
        %mul3A_347 = arith.mulf %broadcast_in_dim3A_335, %get3A_346 : vector<16xf32>
        %get3A_348 = arith.index_cast %squeeze3A_332 : i32 to index
        %get3A_349 = arith.constant 48 : index
        %get3A_350 = tpu.vector_load %arg6[%get3A_348, %get3A_349] {strides = array<i32>} : memref<1024x96xf32, #tpu.memory_space<vmem>>, vector<16xf32>,
        %mul3A_351 = arith.mulf %broadcast_in_dim3A_335, %get3A_350 : vector<16xf32>
        %get3A_352 = arith.index_cast %squeeze3A_332 : i32 to index
        %get3A_353 = arith.constant 64 : index
        %get3A_354 = tpu.vector_load %arg6[%get3A_352, %get3A_353] {strides = array<i32>} : memref<1024x96xf32, #tpu.memory_space<vmem>>, vector<16xf32>,
        %mul3A_355 = arith.mulf %broadcast_in_dim3A_335, %get3A_354 : vector<16xf32>
        %get3A_356 = arith.index_cast %squeeze3A_332 : i32 to index
        %get3A_357 = arith.constant 80 : index
        %get3A_358 = tpu.vector_load %arg6[%get3A_356, %get3A_357] {strides = array<i32>} : memref<1024x96xf32, #tpu.memory_space<vmem>>, vector<16xf32>,
        %mul3A_359 = arith.mulf %broadcast_in_dim3A_335, %get3A_358 : vector<16xf32>
        %add3A_360 = arith.addf %add3A_325, %mul3A_339 : vector<16xf32>
        %add3A_361 = arith.addf %add3A_326, %mul3A_343 : vector<16xf32>
        %add3A_362 = arith.addf %add3A_327, %mul3A_347 : vector<16xf32>
        %add3A_363 = arith.addf %add3A_328, %mul3A_351 : vector<16xf32>
        %add3A_364 = arith.addf %add3A_329, %mul3A_355 : vector<16xf32>
        %add3A_365 = arith.addf %add3A_330, %mul3A_359 : vector<16xf32>
        %slice3A_366 = vector.extract_strided_slice %get3A_126 {offsets = [7], sizes = [1], strides = [1]} : vector<16xi32> to vector<1xi32>
        %squeeze3A_367 = vector.extract %slice3A_366[0] : i32 from vector<1xi32>
        %slice3A_368 = vector.extract_strided_slice %get3A_129 {offsets = [7], sizes = [1], strides = [1]} : vector<16xf32> to vector<1xf32>
        %squeeze3A_369 = vector.extract %slice3A_368[0] : f32 from vector<1xf32>
        %broadcast_in_dim3A_370 = vector.broadcast %squeeze3A_369 : f32 to vector<16xf32>
        %get3A_371 = arith.index_cast %squeeze3A_367 : i32 to index
        %get3A_372 = arith.constant 0 : index
        %get3A_373 = tpu.vector_load %arg6[%get3A_371, %get3A_372] {strides = array<i32>} : memref<1024x96xf32, #tpu.memory_space<vmem>>, vector<16xf32>,
        %mul3A_374 = arith.mulf %broadcast_in_dim3A_370, %get3A_373 : vector<16xf32>
        %get3A_375 = arith.index_cast %squeeze3A_367 : i32 to index
        %get3A_376 = arith.constant 16 : index
        %get3A_377 = tpu.vector_load %arg6[%get3A_375, %get3A_376] {strides = array<i32>} : memref<1024x96xf32, #tpu.memory_space<vmem>>, vector<16xf32>,
        %mul3A_378 = arith.mulf %broadcast_in_dim3A_370, %get3A_377 : vector<16xf32>
        %get3A_379 = arith.index_cast %squeeze3A_367 : i32 to index
        %get3A_380 = arith.constant 32 : index
        %get3A_381 = tpu.vector_load %arg6[%get3A_379, %get3A_380] {strides = array<i32>} : memref<1024x96xf32, #tpu.memory_space<vmem>>, vector<16xf32>,
        %mul3A_382 = arith.mulf %broadcast_in_dim3A_370, %get3A_381 : vector<16xf32>
        %get3A_383 = arith.index_cast %squeeze3A_367 : i32 to index
        %get3A_384 = arith.constant 48 : index
        %get3A_385 = tpu.vector_load %arg6[%get3A_383, %get3A_384] {strides = array<i32>} : memref<1024x96xf32, #tpu.memory_space<vmem>>, vector<16xf32>,
        %mul3A_386 = arith.mulf %broadcast_in_dim3A_370, %get3A_385 : vector<16xf32>
        %get3A_387 = arith.index_cast %squeeze3A_367 : i32 to index
        %get3A_388 = arith.constant 64 : index
        %get3A_389 = tpu.vector_load %arg6[%get3A_387, %get3A_388] {strides = array<i32>} : memref<1024x96xf32, #tpu.memory_space<vmem>>, vector<16xf32>,
        %mul3A_390 = arith.mulf %broadcast_in_dim3A_370, %get3A_389 : vector<16xf32>
        %get3A_391 = arith.index_cast %squeeze3A_367 : i32 to index
        %get3A_392 = arith.constant 80 : index
        %get3A_393 = tpu.vector_load %arg6[%get3A_391, %get3A_392] {strides = array<i32>} : memref<1024x96xf32, #tpu.memory_space<vmem>>, vector<16xf32>,
        %mul3A_394 = arith.mulf %broadcast_in_dim3A_370, %get3A_393 : vector<16xf32>
        %add3A_395 = arith.addf %add3A_360, %mul3A_374 : vector<16xf32>
        %add3A_396 = arith.addf %add3A_361, %mul3A_378 : vector<16xf32>
        %add3A_397 = arith.addf %add3A_362, %mul3A_382 : vector<16xf32>
        %add3A_398 = arith.addf %add3A_363, %mul3A_386 : vector<16xf32>
        %add3A_399 = arith.addf %add3A_364, %mul3A_390 : vector<16xf32>
        %add3A_400 = arith.addf %add3A_365, %mul3A_394 : vector<16xf32>
        %slice3A_401 = vector.extract_strided_slice %get3A_126 {offsets = [8], sizes = [1], strides = [1]} : vector<16xi32> to vector<1xi32>
        %squeeze3A_402 = vector.extract %slice3A_401[0] : i32 from vector<1xi32>
        %slice3A_403 = vector.extract_strided_slice %get3A_129 {offsets = [8], sizes = [1], strides = [1]} : vector<16xf32> to vector<1xf32>
        %squeeze3A_404 = vector.extract %slice3A_403[0] : f32 from vector<1xf32>
        %broadcast_in_dim3A_405 = vector.broadcast %squeeze3A_404 : f32 to vector<16xf32>
        %get3A_406 = arith.index_cast %squeeze3A_402 : i32 to index
        %get3A_407 = arith.constant 0 : index
        %get3A_408 = tpu.vector_load %arg6[%get3A_406, %get3A_407] {strides = array<i32>} : memref<1024x96xf32, #tpu.memory_space<vmem>>, vector<16xf32>,
        %mul3A_409 = arith.mulf %broadcast_in_dim3A_405, %get3A_408 : vector<16xf32>
        %get3A_410 = arith.index_cast %squeeze3A_402 : i32 to index
        %get3A_411 = arith.constant 16 : index
        %get3A_412 = tpu.vector_load %arg6[%get3A_410, %get3A_411] {strides = array<i32>} : memref<1024x96xf32, #tpu.memory_space<vmem>>, vector<16xf32>,
        %mul3A_413 = arith.mulf %broadcast_in_dim3A_405, %get3A_412 : vector<16xf32>
        %get3A_414 = arith.index_cast %squeeze3A_402 : i32 to index
        %get3A_415 = arith.constant 32 : index
        %get3A_416 = tpu.vector_load %arg6[%get3A_414, %get3A_415] {strides = array<i32>} : memref<1024x96xf32, #tpu.memory_space<vmem>>, vector<16xf32>,
        %mul3A_417 = arith.mulf %broadcast_in_dim3A_405, %get3A_416 : vector<16xf32>
        %get3A_418 = arith.index_cast %squeeze3A_402 : i32 to index
        %get3A_419 = arith.constant 48 : index
        %get3A_420 = tpu.vector_load %arg6[%get3A_418, %get3A_419] {strides = array<i32>} : memref<1024x96xf32, #tpu.memory_space<vmem>>, vector<16xf32>,
        %mul3A_421 = arith.mulf %broadcast_in_dim3A_405, %get3A_420 : vector<16xf32>
        %get3A_422 = arith.index_cast %squeeze3A_402 : i32 to index
        %get3A_423 = arith.constant 64 : index
        %get3A_424 = tpu.vector_load %arg6[%get3A_422, %get3A_423] {strides = array<i32>} : memref<1024x96xf32, #tpu.memory_space<vmem>>, vector<16xf32>,
        %mul3A_425 = arith.mulf %broadcast_in_dim3A_405, %get3A_424 : vector<16xf32>
        %get3A_426 = arith.index_cast %squeeze3A_402 : i32 to index
        %get3A_427 = arith.constant 80 : index
        %get3A_428 = tpu.vector_load %arg6[%get3A_426, %get3A_427] {strides = array<i32>} : memref<1024x96xf32, #tpu.memory_space<vmem>>, vector<16xf32>,
        %mul3A_429 = arith.mulf %broadcast_in_dim3A_405, %get3A_428 : vector<16xf32>
        %add3A_430 = arith.addf %add3A_395, %mul3A_409 : vector<16xf32>
        %add3A_431 = arith.addf %add3A_396, %mul3A_413 : vector<16xf32>
        %add3A_432 = arith.addf %add3A_397, %mul3A_417 : vector<16xf32>
        %add3A_433 = arith.addf %add3A_398, %mul3A_421 : vector<16xf32>
        %add3A_434 = arith.addf %add3A_399, %mul3A_425 : vector<16xf32>
        %add3A_435 = arith.addf %add3A_400, %mul3A_429 : vector<16xf32>
        %slice3A_436 = vector.extract_strided_slice %get3A_126 {offsets = [9], sizes = [1], strides = [1]} : vector<16xi32> to vector<1xi32>
        %squeeze3A_437 = vector.extract %slice3A_436[0] : i32 from vector<1xi32>
        %slice3A_438 = vector.extract_strided_slice %get3A_129 {offsets = [9], sizes = [1], strides = [1]} : vector<16xf32> to vector<1xf32>
        %squeeze3A_439 = vector.extract %slice3A_438[0] : f32 from vector<1xf32>
        %broadcast_in_dim3A_440 = vector.broadcast %squeeze3A_439 : f32 to vector<16xf32>
        %get3A_441 = arith.index_cast %squeeze3A_437 : i32 to index
        %get3A_442 = arith.constant 0 : index
        %get3A_443 = tpu.vector_load %arg6[%get3A_441, %get3A_442] {strides = array<i32>} : memref<1024x96xf32, #tpu.memory_space<vmem>>, vector<16xf32>,
        %mul3A_444 = arith.mulf %broadcast_in_dim3A_440, %get3A_443 : vector<16xf32>
        %get3A_445 = arith.index_cast %squeeze3A_437 : i32 to index
        %get3A_446 = arith.constant 16 : index
        %get3A_447 = tpu.vector_load %arg6[%get3A_445, %get3A_446] {strides = array<i32>} : memref<1024x96xf32, #tpu.memory_space<vmem>>, vector<16xf32>,
        %mul3A_448 = arith.mulf %broadcast_in_dim3A_440, %get3A_447 : vector<16xf32>
        %get3A_449 = arith.index_cast %squeeze3A_437 : i32 to index
        %get3A_450 = arith.constant 32 : index
        %get3A_451 = tpu.vector_load %arg6[%get3A_449, %get3A_450] {strides = array<i32>} : memref<1024x96xf32, #tpu.memory_space<vmem>>, vector<16xf32>,
        %mul3A_452 = arith.mulf %broadcast_in_dim3A_440, %get3A_451 : vector<16xf32>
        %get3A_453 = arith.index_cast %squeeze3A_437 : i32 to index
        %get3A_454 = arith.constant 48 : index
        %get3A_455 = tpu.vector_load %arg6[%get3A_453, %get3A_454] {strides = array<i32>} : memref<1024x96xf32, #tpu.memory_space<vmem>>, vector<16xf32>,
        %mul3A_456 = arith.mulf %broadcast_in_dim3A_440, %get3A_455 : vector<16xf32>
        %get3A_457 = arith.index_cast %squeeze3A_437 : i32 to index
        %get3A_458 = arith.constant 64 : index
        %get3A_459 = tpu.vector_load %arg6[%get3A_457, %get3A_458] {strides = array<i32>} : memref<1024x96xf32, #tpu.memory_space<vmem>>, vector<16xf32>,
        %mul3A_460 = arith.mulf %broadcast_in_dim3A_440, %get3A_459 : vector<16xf32>
        %get3A_461 = arith.index_cast %squeeze3A_437 : i32 to index
        %get3A_462 = arith.constant 80 : index
        %get3A_463 = tpu.vector_load %arg6[%get3A_461, %get3A_462] {strides = array<i32>} : memref<1024x96xf32, #tpu.memory_space<vmem>>, vector<16xf32>,
        %mul3A_464 = arith.mulf %broadcast_in_dim3A_440, %get3A_463 : vector<16xf32>
        %add3A_465 = arith.addf %add3A_430, %mul3A_444 : vector<16xf32>
        %add3A_466 = arith.addf %add3A_431, %mul3A_448 : vector<16xf32>
        %add3A_467 = arith.addf %add3A_432, %mul3A_452 : vector<16xf32>
        %add3A_468 = arith.addf %add3A_433, %mul3A_456 : vector<16xf32>
        %add3A_469 = arith.addf %add3A_434, %mul3A_460 : vector<16xf32>
        %add3A_470 = arith.addf %add3A_435, %mul3A_464 : vector<16xf32>
        %slice3A_471 = vector.extract_strided_slice %get3A_126 {offsets = [10], sizes = [1], strides = [1]} : vector<16xi32> to vector<1xi32>
        %squeeze3A_472 = vector.extract %slice3A_471[0] : i32 from vector<1xi32>
        %slice3A_473 = vector.extract_strided_slice %get3A_129 {offsets = [10], sizes = [1], strides = [1]} : vector<16xf32> to vector<1xf32>
        %squeeze3A_474 = vector.extract %slice3A_473[0] : f32 from vector<1xf32>
        %broadcast_in_dim3A_475 = vector.broadcast %squeeze3A_474 : f32 to vector<16xf32>
        %get3A_476 = arith.index_cast %squeeze3A_472 : i32 to index
        %get3A_477 = arith.constant 0 : index
        %get3A_478 = tpu.vector_load %arg6[%get3A_476, %get3A_477] {strides = array<i32>} : memref<1024x96xf32, #tpu.memory_space<vmem>>, vector<16xf32>,
        %mul3A_479 = arith.mulf %broadcast_in_dim3A_475, %get3A_478 : vector<16xf32>
        %get3A_480 = arith.index_cast %squeeze3A_472 : i32 to index
        %get3A_481 = arith.constant 16 : index
        %get3A_482 = tpu.vector_load %arg6[%get3A_480, %get3A_481] {strides = array<i32>} : memref<1024x96xf32, #tpu.memory_space<vmem>>, vector<16xf32>,
        %mul3A_483 = arith.mulf %broadcast_in_dim3A_475, %get3A_482 : vector<16xf32>
        %get3A_484 = arith.index_cast %squeeze3A_472 : i32 to index
        %get3A_485 = arith.constant 32 : index
        %get3A_486 = tpu.vector_load %arg6[%get3A_484, %get3A_485] {strides = array<i32>} : memref<1024x96xf32, #tpu.memory_space<vmem>>, vector<16xf32>,
        %mul3A_487 = arith.mulf %broadcast_in_dim3A_475, %get3A_486 : vector<16xf32>
        %get3A_488 = arith.index_cast %squeeze3A_472 : i32 to index
        %get3A_489 = arith.constant 48 : index
        %get3A_490 = tpu.vector_load %arg6[%get3A_488, %get3A_489] {strides = array<i32>} : memref<1024x96xf32, #tpu.memory_space<vmem>>, vector<16xf32>,
        %mul3A_491 = arith.mulf %broadcast_in_dim3A_475, %get3A_490 : vector<16xf32>
        %get3A_492 = arith.index_cast %squeeze3A_472 : i32 to index
        %get3A_493 = arith.constant 64 : index
        %get3A_494 = tpu.vector_load %arg6[%get3A_492, %get3A_493] {strides = array<i32>} : memref<1024x96xf32, #tpu.memory_space<vmem>>, vector<16xf32>,
        %mul3A_495 = arith.mulf %broadcast_in_dim3A_475, %get3A_494 : vector<16xf32>
        %get3A_496 = arith.index_cast %squeeze3A_472 : i32 to index
        %get3A_497 = arith.constant 80 : index
        %get3A_498 = tpu.vector_load %arg6[%get3A_496, %get3A_497] {strides = array<i32>} : memref<1024x96xf32, #tpu.memory_space<vmem>>, vector<16xf32>,
        %mul3A_499 = arith.mulf %broadcast_in_dim3A_475, %get3A_498 : vector<16xf32>
        %add3A_500 = arith.addf %add3A_465, %mul3A_479 : vector<16xf32>
        %add3A_501 = arith.addf %add3A_466, %mul3A_483 : vector<16xf32>
        %add3A_502 = arith.addf %add3A_467, %mul3A_487 : vector<16xf32>
        %add3A_503 = arith.addf %add3A_468, %mul3A_491 : vector<16xf32>
        %add3A_504 = arith.addf %add3A_469, %mul3A_495 : vector<16xf32>
        %add3A_505 = arith.addf %add3A_470, %mul3A_499 : vector<16xf32>
        %slice3A_506 = vector.extract_strided_slice %get3A_126 {offsets = [11], sizes = [1], strides = [1]} : vector<16xi32> to vector<1xi32>
        %squeeze3A_507 = vector.extract %slice3A_506[0] : i32 from vector<1xi32>
        %slice3A_508 = vector.extract_strided_slice %get3A_129 {offsets = [11], sizes = [1], strides = [1]} : vector<16xf32> to vector<1xf32>
        %squeeze3A_509 = vector.extract %slice3A_508[0] : f32 from vector<1xf32>
        %broadcast_in_dim3A_510 = vector.broadcast %squeeze3A_509 : f32 to vector<16xf32>
        %get3A_511 = arith.index_cast %squeeze3A_507 : i32 to index
        %get3A_512 = arith.constant 0 : index
        %get3A_513 = tpu.vector_load %arg6[%get3A_511, %get3A_512] {strides = array<i32>} : memref<1024x96xf32, #tpu.memory_space<vmem>>, vector<16xf32>,
        %mul3A_514 = arith.mulf %broadcast_in_dim3A_510, %get3A_513 : vector<16xf32>
        %get3A_515 = arith.index_cast %squeeze3A_507 : i32 to index
        %get3A_516 = arith.constant 16 : index
        %get3A_517 = tpu.vector_load %arg6[%get3A_515, %get3A_516] {strides = array<i32>} : memref<1024x96xf32, #tpu.memory_space<vmem>>, vector<16xf32>,
        %mul3A_518 = arith.mulf %broadcast_in_dim3A_510, %get3A_517 : vector<16xf32>
        %get3A_519 = arith.index_cast %squeeze3A_507 : i32 to index
        %get3A_520 = arith.constant 32 : index
        %get3A_521 = tpu.vector_load %arg6[%get3A_519, %get3A_520] {strides = array<i32>} : memref<1024x96xf32, #tpu.memory_space<vmem>>, vector<16xf32>,
        %mul3A_522 = arith.mulf %broadcast_in_dim3A_510, %get3A_521 : vector<16xf32>
        %get3A_523 = arith.index_cast %squeeze3A_507 : i32 to index
        %get3A_524 = arith.constant 48 : index
        %get3A_525 = tpu.vector_load %arg6[%get3A_523, %get3A_524] {strides = array<i32>} : memref<1024x96xf32, #tpu.memory_space<vmem>>, vector<16xf32>,
        %mul3A_526 = arith.mulf %broadcast_in_dim3A_510, %get3A_525 : vector<16xf32>
        %get3A_527 = arith.index_cast %squeeze3A_507 : i32 to index
        %get3A_528 = arith.constant 64 : index
        %get3A_529 = tpu.vector_load %arg6[%get3A_527, %get3A_528] {strides = array<i32>} : memref<1024x96xf32, #tpu.memory_space<vmem>>, vector<16xf32>,
        %mul3A_530 = arith.mulf %broadcast_in_dim3A_510, %get3A_529 : vector<16xf32>
        %get3A_531 = arith.index_cast %squeeze3A_507 : i32 to index
        %get3A_532 = arith.constant 80 : index
        %get3A_533 = tpu.vector_load %arg6[%get3A_531, %get3A_532] {strides = array<i32>} : memref<1024x96xf32, #tpu.memory_space<vmem>>, vector<16xf32>,
        %mul3A_534 = arith.mulf %broadcast_in_dim3A_510, %get3A_533 : vector<16xf32>
        %add3A_535 = arith.addf %add3A_500, %mul3A_514 : vector<16xf32>
        %add3A_536 = arith.addf %add3A_501, %mul3A_518 : vector<16xf32>
        %add3A_537 = arith.addf %add3A_502, %mul3A_522 : vector<16xf32>
        %add3A_538 = arith.addf %add3A_503, %mul3A_526 : vector<16xf32>
        %add3A_539 = arith.addf %add3A_504, %mul3A_530 : vector<16xf32>
        %add3A_540 = arith.addf %add3A_505, %mul3A_534 : vector<16xf32>
        %slice3A_541 = vector.extract_strided_slice %get3A_126 {offsets = [12], sizes = [1], strides = [1]} : vector<16xi32> to vector<1xi32>
        %squeeze3A_542 = vector.extract %slice3A_541[0] : i32 from vector<1xi32>
        %slice3A_543 = vector.extract_strided_slice %get3A_129 {offsets = [12], sizes = [1], strides = [1]} : vector<16xf32> to vector<1xf32>
        %squeeze3A_544 = vector.extract %slice3A_543[0] : f32 from vector<1xf32>
        %broadcast_in_dim3A_545 = vector.broadcast %squeeze3A_544 : f32 to vector<16xf32>
        %get3A_546 = arith.index_cast %squeeze3A_542 : i32 to index
        %get3A_547 = arith.constant 0 : index
        %get3A_548 = tpu.vector_load %arg6[%get3A_546, %get3A_547] {strides = array<i32>} : memref<1024x96xf32, #tpu.memory_space<vmem>>, vector<16xf32>,
        %mul3A_549 = arith.mulf %broadcast_in_dim3A_545, %get3A_548 : vector<16xf32>
        %get3A_550 = arith.index_cast %squeeze3A_542 : i32 to index
        %get3A_551 = arith.constant 16 : index
        %get3A_552 = tpu.vector_load %arg6[%get3A_550, %get3A_551] {strides = array<i32>} : memref<1024x96xf32, #tpu.memory_space<vmem>>, vector<16xf32>,
        %mul3A_553 = arith.mulf %broadcast_in_dim3A_545, %get3A_552 : vector<16xf32>
        %get3A_554 = arith.index_cast %squeeze3A_542 : i32 to index
        %get3A_555 = arith.constant 32 : index
        %get3A_556 = tpu.vector_load %arg6[%get3A_554, %get3A_555] {strides = array<i32>} : memref<1024x96xf32, #tpu.memory_space<vmem>>, vector<16xf32>,
        %mul3A_557 = arith.mulf %broadcast_in_dim3A_545, %get3A_556 : vector<16xf32>
        %get3A_558 = arith.index_cast %squeeze3A_542 : i32 to index
        %get3A_559 = arith.constant 48 : index
        %get3A_560 = tpu.vector_load %arg6[%get3A_558, %get3A_559] {strides = array<i32>} : memref<1024x96xf32, #tpu.memory_space<vmem>>, vector<16xf32>,
        %mul3A_561 = arith.mulf %broadcast_in_dim3A_545, %get3A_560 : vector<16xf32>
        %get3A_562 = arith.index_cast %squeeze3A_542 : i32 to index
        %get3A_563 = arith.constant 64 : index
        %get3A_564 = tpu.vector_load %arg6[%get3A_562, %get3A_563] {strides = array<i32>} : memref<1024x96xf32, #tpu.memory_space<vmem>>, vector<16xf32>,
        %mul3A_565 = arith.mulf %broadcast_in_dim3A_545, %get3A_564 : vector<16xf32>
        %get3A_566 = arith.index_cast %squeeze3A_542 : i32 to index
        %get3A_567 = arith.constant 80 : index
        %get3A_568 = tpu.vector_load %arg6[%get3A_566, %get3A_567] {strides = array<i32>} : memref<1024x96xf32, #tpu.memory_space<vmem>>, vector<16xf32>,
        %mul3A_569 = arith.mulf %broadcast_in_dim3A_545, %get3A_568 : vector<16xf32>
        %add3A_570 = arith.addf %add3A_535, %mul3A_549 : vector<16xf32>
        %add3A_571 = arith.addf %add3A_536, %mul3A_553 : vector<16xf32>
        %add3A_572 = arith.addf %add3A_537, %mul3A_557 : vector<16xf32>
        %add3A_573 = arith.addf %add3A_538, %mul3A_561 : vector<16xf32>
        %add3A_574 = arith.addf %add3A_539, %mul3A_565 : vector<16xf32>
        %add3A_575 = arith.addf %add3A_540, %mul3A_569 : vector<16xf32>
        %slice3A_576 = vector.extract_strided_slice %get3A_126 {offsets = [13], sizes = [1], strides = [1]} : vector<16xi32> to vector<1xi32>
        %squeeze3A_577 = vector.extract %slice3A_576[0] : i32 from vector<1xi32>
        %slice3A_578 = vector.extract_strided_slice %get3A_129 {offsets = [13], sizes = [1], strides = [1]} : vector<16xf32> to vector<1xf32>
        %squeeze3A_579 = vector.extract %slice3A_578[0] : f32 from vector<1xf32>
        %broadcast_in_dim3A_580 = vector.broadcast %squeeze3A_579 : f32 to vector<16xf32>
        %get3A_581 = arith.index_cast %squeeze3A_577 : i32 to index
        %get3A_582 = arith.constant 0 : index
        %get3A_583 = tpu.vector_load %arg6[%get3A_581, %get3A_582] {strides = array<i32>} : memref<1024x96xf32, #tpu.memory_space<vmem>>, vector<16xf32>,
        %mul3A_584 = arith.mulf %broadcast_in_dim3A_580, %get3A_583 : vector<16xf32>
        %get3A_585 = arith.index_cast %squeeze3A_577 : i32 to index
        %get3A_586 = arith.constant 16 : index
        %get3A_587 = tpu.vector_load %arg6[%get3A_585, %get3A_586] {strides = array<i32>} : memref<1024x96xf32, #tpu.memory_space<vmem>>, vector<16xf32>,
        %mul3A_588 = arith.mulf %broadcast_in_dim3A_580, %get3A_587 : vector<16xf32>
        %get3A_589 = arith.index_cast %squeeze3A_577 : i32 to index
        %get3A_590 = arith.constant 32 : index
        %get3A_591 = tpu.vector_load %arg6[%get3A_589, %get3A_590] {strides = array<i32>} : memref<1024x96xf32, #tpu.memory_space<vmem>>, vector<16xf32>,
        %mul3A_592 = arith.mulf %broadcast_in_dim3A_580, %get3A_591 : vector<16xf32>
        %get3A_593 = arith.index_cast %squeeze3A_577 : i32 to index
        %get3A_594 = arith.constant 48 : index
        %get3A_595 = tpu.vector_load %arg6[%get3A_593, %get3A_594] {strides = array<i32>} : memref<1024x96xf32, #tpu.memory_space<vmem>>, vector<16xf32>,
        %mul3A_596 = arith.mulf %broadcast_in_dim3A_580, %get3A_595 : vector<16xf32>
        %get3A_597 = arith.index_cast %squeeze3A_577 : i32 to index
        %get3A_598 = arith.constant 64 : index
        %get3A_599 = tpu.vector_load %arg6[%get3A_597, %get3A_598] {strides = array<i32>} : memref<1024x96xf32, #tpu.memory_space<vmem>>, vector<16xf32>,
        %mul3A_600 = arith.mulf %broadcast_in_dim3A_580, %get3A_599 : vector<16xf32>
        %get3A_601 = arith.index_cast %squeeze3A_577 : i32 to index
        %get3A_602 = arith.constant 80 : index
        %get3A_603 = tpu.vector_load %arg6[%get3A_601, %get3A_602] {strides = array<i32>} : memref<1024x96xf32, #tpu.memory_space<vmem>>, vector<16xf32>,
        %mul3A_604 = arith.mulf %broadcast_in_dim3A_580, %get3A_603 : vector<16xf32>
        %add3A_605 = arith.addf %add3A_570, %mul3A_584 : vector<16xf32>
        %add3A_606 = arith.addf %add3A_571, %mul3A_588 : vector<16xf32>
        %add3A_607 = arith.addf %add3A_572, %mul3A_592 : vector<16xf32>
        %add3A_608 = arith.addf %add3A_573, %mul3A_596 : vector<16xf32>
        %add3A_609 = arith.addf %add3A_574, %mul3A_600 : vector<16xf32>
        %add3A_610 = arith.addf %add3A_575, %mul3A_604 : vector<16xf32>
        %slice3A_611 = vector.extract_strided_slice %get3A_126 {offsets = [14], sizes = [1], strides = [1]} : vector<16xi32> to vector<1xi32>
        %squeeze3A_612 = vector.extract %slice3A_611[0] : i32 from vector<1xi32>
        %slice3A_613 = vector.extract_strided_slice %get3A_129 {offsets = [14], sizes = [1], strides = [1]} : vector<16xf32> to vector<1xf32>
        %squeeze3A_614 = vector.extract %slice3A_613[0] : f32 from vector<1xf32>
        %broadcast_in_dim3A_615 = vector.broadcast %squeeze3A_614 : f32 to vector<16xf32>
        %get3A_616 = arith.index_cast %squeeze3A_612 : i32 to index
        %get3A_617 = arith.constant 0 : index
        %get3A_618 = tpu.vector_load %arg6[%get3A_616, %get3A_617] {strides = array<i32>} : memref<1024x96xf32, #tpu.memory_space<vmem>>, vector<16xf32>,
        %mul3A_619 = arith.mulf %broadcast_in_dim3A_615, %get3A_618 : vector<16xf32>
        %get3A_620 = arith.index_cast %squeeze3A_612 : i32 to index
        %get3A_621 = arith.constant 16 : index
        %get3A_622 = tpu.vector_load %arg6[%get3A_620, %get3A_621] {strides = array<i32>} : memref<1024x96xf32, #tpu.memory_space<vmem>>, vector<16xf32>,
        %mul3A_623 = arith.mulf %broadcast_in_dim3A_615, %get3A_622 : vector<16xf32>
        %get3A_624 = arith.index_cast %squeeze3A_612 : i32 to index
        %get3A_625 = arith.constant 32 : index
        %get3A_626 = tpu.vector_load %arg6[%get3A_624, %get3A_625] {strides = array<i32>} : memref<1024x96xf32, #tpu.memory_space<vmem>>, vector<16xf32>,
        %mul3A_627 = arith.mulf %broadcast_in_dim3A_615, %get3A_626 : vector<16xf32>
        %get3A_628 = arith.index_cast %squeeze3A_612 : i32 to index
        %get3A_629 = arith.constant 48 : index
        %get3A_630 = tpu.vector_load %arg6[%get3A_628, %get3A_629] {strides = array<i32>} : memref<1024x96xf32, #tpu.memory_space<vmem>>, vector<16xf32>,
        %mul3A_631 = arith.mulf %broadcast_in_dim3A_615, %get3A_630 : vector<16xf32>
        %get3A_632 = arith.index_cast %squeeze3A_612 : i32 to index
        %get3A_633 = arith.constant 64 : index
        %get3A_634 = tpu.vector_load %arg6[%get3A_632, %get3A_633] {strides = array<i32>} : memref<1024x96xf32, #tpu.memory_space<vmem>>, vector<16xf32>,
        %mul3A_635 = arith.mulf %broadcast_in_dim3A_615, %get3A_634 : vector<16xf32>
        %get3A_636 = arith.index_cast %squeeze3A_612 : i32 to index
        %get3A_637 = arith.constant 80 : index
        %get3A_638 = tpu.vector_load %arg6[%get3A_636, %get3A_637] {strides = array<i32>} : memref<1024x96xf32, #tpu.memory_space<vmem>>, vector<16xf32>,
        %mul3A_639 = arith.mulf %broadcast_in_dim3A_615, %get3A_638 : vector<16xf32>
        %add3A_640 = arith.addf %add3A_605, %mul3A_619 : vector<16xf32>
        %add3A_641 = arith.addf %add3A_606, %mul3A_623 : vector<16xf32>
        %add3A_642 = arith.addf %add3A_607, %mul3A_627 : vector<16xf32>
        %add3A_643 = arith.addf %add3A_608, %mul3A_631 : vector<16xf32>
        %add3A_644 = arith.addf %add3A_609, %mul3A_635 : vector<16xf32>
        %add3A_645 = arith.addf %add3A_610, %mul3A_639 : vector<16xf32>
        %slice3A_646 = vector.extract_strided_slice %get3A_126 {offsets = [15], sizes = [1], strides = [1]} : vector<16xi32> to vector<1xi32>
        %squeeze3A_647 = vector.extract %slice3A_646[0] : i32 from vector<1xi32>
        %slice3A_648 = vector.extract_strided_slice %get3A_129 {offsets = [15], sizes = [1], strides = [1]} : vector<16xf32> to vector<1xf32>
        %squeeze3A_649 = vector.extract %slice3A_648[0] : f32 from vector<1xf32>
        %broadcast_in_dim3A_650 = vector.broadcast %squeeze3A_649 : f32 to vector<16xf32>
        %get3A_651 = arith.index_cast %squeeze3A_647 : i32 to index
        %get3A_652 = arith.constant 0 : index
        %get3A_653 = tpu.vector_load %arg6[%get3A_651, %get3A_652] {strides = array<i32>} : memref<1024x96xf32, #tpu.memory_space<vmem>>, vector<16xf32>,
        %mul3A_654 = arith.mulf %broadcast_in_dim3A_650, %get3A_653 : vector<16xf32>
        %get3A_655 = arith.index_cast %squeeze3A_647 : i32 to index
        %get3A_656 = arith.constant 16 : index
        %get3A_657 = tpu.vector_load %arg6[%get3A_655, %get3A_656] {strides = array<i32>} : memref<1024x96xf32, #tpu.memory_space<vmem>>, vector<16xf32>,
        %mul3A_658 = arith.mulf %broadcast_in_dim3A_650, %get3A_657 : vector<16xf32>
        %get3A_659 = arith.index_cast %squeeze3A_647 : i32 to index
        %get3A_660 = arith.constant 32 : index
        %get3A_661 = tpu.vector_load %arg6[%get3A_659, %get3A_660] {strides = array<i32>} : memref<1024x96xf32, #tpu.memory_space<vmem>>, vector<16xf32>,
        %mul3A_662 = arith.mulf %broadcast_in_dim3A_650, %get3A_661 : vector<16xf32>
        %get3A_663 = arith.index_cast %squeeze3A_647 : i32 to index
        %get3A_664 = arith.constant 48 : index
        %get3A_665 = tpu.vector_load %arg6[%get3A_663, %get3A_664] {strides = array<i32>} : memref<1024x96xf32, #tpu.memory_space<vmem>>, vector<16xf32>,
        %mul3A_666 = arith.mulf %broadcast_in_dim3A_650, %get3A_665 : vector<16xf32>
        %get3A_667 = arith.index_cast %squeeze3A_647 : i32 to index
        %get3A_668 = arith.constant 64 : index
        %get3A_669 = tpu.vector_load %arg6[%get3A_667, %get3A_668] {strides = array<i32>} : memref<1024x96xf32, #tpu.memory_space<vmem>>, vector<16xf32>,
        %mul3A_670 = arith.mulf %broadcast_in_dim3A_650, %get3A_669 : vector<16xf32>
        %get3A_671 = arith.index_cast %squeeze3A_647 : i32 to index
        %get3A_672 = arith.constant 80 : index
        %get3A_673 = tpu.vector_load %arg6[%get3A_671, %get3A_672] {strides = array<i32>} : memref<1024x96xf32, #tpu.memory_space<vmem>>, vector<16xf32>,
        %mul3A_674 = arith.mulf %broadcast_in_dim3A_650, %get3A_673 : vector<16xf32>
        %add3A_675 = arith.addf %add3A_640, %mul3A_654 : vector<16xf32>
        %add3A_676 = arith.addf %add3A_641, %mul3A_658 : vector<16xf32>
        %add3A_677 = arith.addf %add3A_642, %mul3A_662 : vector<16xf32>
        %add3A_678 = arith.addf %add3A_643, %mul3A_666 : vector<16xf32>
        %add3A_679 = arith.addf %add3A_644, %mul3A_670 : vector<16xf32>
        %add3A_680 = arith.addf %add3A_645, %mul3A_674 : vector<16xf32>
        %swap3A = arith.index_cast %rem3A_90 : i32 to index
        %swap3A_681 = arith.index_cast %mul3A_121 : i32 to index
        %swap3A_682 = arith.constant 0 : index
        %swap3A_683 = tpu.vector_load %arg9[%swap3A, %swap3A_681, %swap3A_682] {strides = array<i32>} : memref<2x64x96xf32, #tpu.memory_space<vmem>>, vector<16xf32>,
        tpu.vector_store %arg9[%swap3A, %swap3A_681, %swap3A_682], %add3A_675 {strides = array<i32>} : memref<2x64x96xf32, #tpu.memory_space<vmem>>, vector<16xf32>,
        %swap3A_684 = arith.index_cast %rem3A_90 : i32 to index
        %swap3A_685 = arith.index_cast %mul3A_121 : i32 to index
        %swap3A_686 = arith.constant 16 : index
        %swap3A_687 = tpu.vector_load %arg9[%swap3A_684, %swap3A_685, %swap3A_686] {strides = array<i32>} : memref<2x64x96xf32, #tpu.memory_space<vmem>>, vector<16xf32>,
        tpu.vector_store %arg9[%swap3A_684, %swap3A_685, %swap3A_686], %add3A_676 {strides = array<i32>} : memref<2x64x96xf32, #tpu.memory_space<vmem>>, vector<16xf32>,
        %swap3A_688 = arith.index_cast %rem3A_90 : i32 to index
        %swap3A_689 = arith.index_cast %mul3A_121 : i32 to index
        %swap3A_690 = arith.constant 32 : index
        %swap3A_691 = tpu.vector_load %arg9[%swap3A_688, %swap3A_689, %swap3A_690] {strides = array<i32>} : memref<2x64x96xf32, #tpu.memory_space<vmem>>, vector<16xf32>,
        tpu.vector_store %arg9[%swap3A_688, %swap3A_689, %swap3A_690], %add3A_677 {strides = array<i32>} : memref<2x64x96xf32, #tpu.memory_space<vmem>>, vector<16xf32>,
        %swap3A_692 = arith.index_cast %rem3A_90 : i32 to index
        %swap3A_693 = arith.index_cast %mul3A_121 : i32 to index
        %swap3A_694 = arith.constant 48 : index
        %swap3A_695 = tpu.vector_load %arg9[%swap3A_692, %swap3A_693, %swap3A_694] {strides = array<i32>} : memref<2x64x96xf32, #tpu.memory_space<vmem>>, vector<16xf32>,
        tpu.vector_store %arg9[%swap3A_692, %swap3A_693, %swap3A_694], %add3A_678 {strides = array<i32>} : memref<2x64x96xf32, #tpu.memory_space<vmem>>, vector<16xf32>,
        %swap3A_696 = arith.index_cast %rem3A_90 : i32 to index
        %swap3A_697 = arith.index_cast %mul3A_121 : i32 to index
        %swap3A_698 = arith.constant 64 : index
        %swap3A_699 = tpu.vector_load %arg9[%swap3A_696, %swap3A_697, %swap3A_698] {strides = array<i32>} : memref<2x64x96xf32, #tpu.memory_space<vmem>>, vector<16xf32>,
        tpu.vector_store %arg9[%swap3A_696, %swap3A_697, %swap3A_698], %add3A_679 {strides = array<i32>} : memref<2x64x96xf32, #tpu.memory_space<vmem>>, vector<16xf32>,
        %swap3A_700 = arith.index_cast %rem3A_90 : i32 to index
        %swap3A_701 = arith.index_cast %mul3A_121 : i32 to index
        %swap3A_702 = arith.constant 80 : index
        %swap3A_703 = tpu.vector_load %arg9[%swap3A_700, %swap3A_701, %swap3A_702] {strides = array<i32>} : memref<2x64x96xf32, #tpu.memory_space<vmem>>, vector<16xf32>,
        tpu.vector_store %arg9[%swap3A_700, %swap3A_701, %swap3A_702], %add3A_680 {strides = array<i32>} : memref<2x64x96xf32, #tpu.memory_space<vmem>>, vector<16xf32>,
        %mul3A_704 = arith.constant 64 : i32
        %mul3A_705 = arith.muli %scan3A_87, %mul3A_704 : i32
        %add3A_706 = arith.addi %mul3A_705, %mul3A_121 : i32
        %add3A_707 = arith.constant 1 : i32
        %add3A_708 = arith.addi %add3A_706, %add3A_707 : i32
        %add3A_709 = arith.constant 1 : i32
        %add3A_710 = arith.addi %mul3A_121, %add3A_709 : i32
        %get3A_711 = arith.index_cast %add3A_708 : i32 to index
        %get3A_712 = arith.constant 0 : index
        %get3A_713 = tpu.vector_load %arg7[%get3A_711, %get3A_712] {strides = array<i32>} : memref<512x16xi32, #tpu.memory_space<vmem>>, vector<16xi32>,
        %get3A_714 = arith.index_cast %add3A_708 : i32 to index
        %get3A_715 = arith.constant 0 : index
        %get3A_716 = tpu.vector_load %arg8[%get3A_714, %get3A_715] {strides = array<i32>} : memref<512x16xf32, #tpu.memory_space<vmem>>, vector<16xf32>,
        %slice3A_717 = vector.extract_strided_slice %get3A_713 {offsets = [0], sizes = [1], strides = [1]} : vector<16xi32> to vector<1xi32>
        %squeeze3A_718 = vector.extract %slice3A_717[0] : i32 from vector<1xi32>
        %slice3A_719 = vector.extract_strided_slice %get3A_716 {offsets = [0], sizes = [1], strides = [1]} : vector<16xf32> to vector<1xf32>
        %squeeze3A_720 = vector.extract %slice3A_719[0] : f32 from vector<1xf32>
        %broadcast_in_dim3A_721 = vector.broadcast %squeeze3A_720 : f32 to vector<16xf32>
        %get3A_722 = arith.index_cast %squeeze3A_718 : i32 to index
        %get3A_723 = arith.constant 0 : index
        %get3A_724 = tpu.vector_load %arg6[%get3A_722, %get3A_723] {strides = array<i32>} : memref<1024x96xf32, #tpu.memory_space<vmem>>, vector<16xf32>,
        %mul3A_725 = arith.mulf %broadcast_in_dim3A_721, %get3A_724 : vector<16xf32>
        %get3A_726 = arith.index_cast %squeeze3A_718 : i32 to index
        %get3A_727 = arith.constant 16 : index
        %get3A_728 = tpu.vector_load %arg6[%get3A_726, %get3A_727] {strides = array<i32>} : memref<1024x96xf32, #tpu.memory_space<vmem>>, vector<16xf32>,
        %mul3A_729 = arith.mulf %broadcast_in_dim3A_721, %get3A_728 : vector<16xf32>
        %get3A_730 = arith.index_cast %squeeze3A_718 : i32 to index
        %get3A_731 = arith.constant 32 : index
        %get3A_732 = tpu.vector_load %arg6[%get3A_730, %get3A_731] {strides = array<i32>} : memref<1024x96xf32, #tpu.memory_space<vmem>>, vector<16xf32>,
        %mul3A_733 = arith.mulf %broadcast_in_dim3A_721, %get3A_732 : vector<16xf32>
        %get3A_734 = arith.index_cast %squeeze3A_718 : i32 to index
        %get3A_735 = arith.constant 48 : index
        %get3A_736 = tpu.vector_load %arg6[%get3A_734, %get3A_735] {strides = array<i32>} : memref<1024x96xf32, #tpu.memory_space<vmem>>, vector<16xf32>,
        %mul3A_737 = arith.mulf %broadcast_in_dim3A_721, %get3A_736 : vector<16xf32>
        %get3A_738 = arith.index_cast %squeeze3A_718 : i32 to index
        %get3A_739 = arith.constant 64 : index
        %get3A_740 = tpu.vector_load %arg6[%get3A_738, %get3A_739] {strides = array<i32>} : memref<1024x96xf32, #tpu.memory_space<vmem>>, vector<16xf32>,
        %mul3A_741 = arith.mulf %broadcast_in_dim3A_721, %get3A_740 : vector<16xf32>
        %get3A_742 = arith.index_cast %squeeze3A_718 : i32 to index
        %get3A_743 = arith.constant 80 : index
        %get3A_744 = tpu.vector_load %arg6[%get3A_742, %get3A_743] {strides = array<i32>} : memref<1024x96xf32, #tpu.memory_space<vmem>>, vector<16xf32>,
        %mul3A_745 = arith.mulf %broadcast_in_dim3A_721, %get3A_744 : vector<16xf32>
        %slice3A_746 = vector.extract_strided_slice %get3A_713 {offsets = [1], sizes = [1], strides = [1]} : vector<16xi32> to vector<1xi32>
        %squeeze3A_747 = vector.extract %slice3A_746[0] : i32 from vector<1xi32>
        %slice3A_748 = vector.extract_strided_slice %get3A_716 {offsets = [1], sizes = [1], strides = [1]} : vector<16xf32> to vector<1xf32>
        %squeeze3A_749 = vector.extract %slice3A_748[0] : f32 from vector<1xf32>
        %broadcast_in_dim3A_750 = vector.broadcast %squeeze3A_749 : f32 to vector<16xf32>
        %get3A_751 = arith.index_cast %squeeze3A_747 : i32 to index
        %get3A_752 = arith.constant 0 : index
        %get3A_753 = tpu.vector_load %arg6[%get3A_751, %get3A_752] {strides = array<i32>} : memref<1024x96xf32, #tpu.memory_space<vmem>>, vector<16xf32>,
        %mul3A_754 = arith.mulf %broadcast_in_dim3A_750, %get3A_753 : vector<16xf32>
        %get3A_755 = arith.index_cast %squeeze3A_747 : i32 to index
        %get3A_756 = arith.constant 16 : index
        %get3A_757 = tpu.vector_load %arg6[%get3A_755, %get3A_756] {strides = array<i32>} : memref<1024x96xf32, #tpu.memory_space<vmem>>, vector<16xf32>,
        %mul3A_758 = arith.mulf %broadcast_in_dim3A_750, %get3A_757 : vector<16xf32>
        %get3A_759 = arith.index_cast %squeeze3A_747 : i32 to index
        %get3A_760 = arith.constant 32 : index
        %get3A_761 = tpu.vector_load %arg6[%get3A_759, %get3A_760] {strides = array<i32>} : memref<1024x96xf32, #tpu.memory_space<vmem>>, vector<16xf32>,
        %mul3A_762 = arith.mulf %broadcast_in_dim3A_750, %get3A_761 : vector<16xf32>
        %get3A_763 = arith.index_cast %squeeze3A_747 : i32 to index
        %get3A_764 = arith.constant 48 : index
        %get3A_765 = tpu.vector_load %arg6[%get3A_763, %get3A_764] {strides = array<i32>} : memref<1024x96xf32, #tpu.memory_space<vmem>>, vector<16xf32>,
        %mul3A_766 = arith.mulf %broadcast_in_dim3A_750, %get3A_765 : vector<16xf32>
        %get3A_767 = arith.index_cast %squeeze3A_747 : i32 to index
        %get3A_768 = arith.constant 64 : index
        %get3A_769 = tpu.vector_load %arg6[%get3A_767, %get3A_768] {strides = array<i32>} : memref<1024x96xf32, #tpu.memory_space<vmem>>, vector<16xf32>,
        %mul3A_770 = arith.mulf %broadcast_in_dim3A_750, %get3A_769 : vector<16xf32>
        %get3A_771 = arith.index_cast %squeeze3A_747 : i32 to index
        %get3A_772 = arith.constant 80 : index
        %get3A_773 = tpu.vector_load %arg6[%get3A_771, %get3A_772] {strides = array<i32>} : memref<1024x96xf32, #tpu.memory_space<vmem>>, vector<16xf32>,
        %mul3A_774 = arith.mulf %broadcast_in_dim3A_750, %get3A_773 : vector<16xf32>
        %add3A_775 = arith.addf %mul3A_725, %mul3A_754 : vector<16xf32>
        %add3A_776 = arith.addf %mul3A_729, %mul3A_758 : vector<16xf32>
        %add3A_777 = arith.addf %mul3A_733, %mul3A_762 : vector<16xf32>
        %add3A_778 = arith.addf %mul3A_737, %mul3A_766 : vector<16xf32>
        %add3A_779 = arith.addf %mul3A_741, %mul3A_770 : vector<16xf32>
        %add3A_780 = arith.addf %mul3A_745, %mul3A_774 : vector<16xf32>
        %slice3A_781 = vector.extract_strided_slice %get3A_713 {offsets = [2], sizes = [1], strides = [1]} : vector<16xi32> to vector<1xi32>
        %squeeze3A_782 = vector.extract %slice3A_781[0] : i32 from vector<1xi32>
        %slice3A_783 = vector.extract_strided_slice %get3A_716 {offsets = [2], sizes = [1], strides = [1]} : vector<16xf32> to vector<1xf32>
        %squeeze3A_784 = vector.extract %slice3A_783[0] : f32 from vector<1xf32>
        %broadcast_in_dim3A_785 = vector.broadcast %squeeze3A_784 : f32 to vector<16xf32>
        %get3A_786 = arith.index_cast %squeeze3A_782 : i32 to index
        %get3A_787 = arith.constant 0 : index
        %get3A_788 = tpu.vector_load %arg6[%get3A_786, %get3A_787] {strides = array<i32>} : memref<1024x96xf32, #tpu.memory_space<vmem>>, vector<16xf32>,
        %mul3A_789 = arith.mulf %broadcast_in_dim3A_785, %get3A_788 : vector<16xf32>
        %get3A_790 = arith.index_cast %squeeze3A_782 : i32 to index
        %get3A_791 = arith.constant 16 : index
        %get3A_792 = tpu.vector_load %arg6[%get3A_790, %get3A_791] {strides = array<i32>} : memref<1024x96xf32, #tpu.memory_space<vmem>>, vector<16xf32>,
        %mul3A_793 = arith.mulf %broadcast_in_dim3A_785, %get3A_792 : vector<16xf32>
        %get3A_794 = arith.index_cast %squeeze3A_782 : i32 to index
        %get3A_795 = arith.constant 32 : index
        %get3A_796 = tpu.vector_load %arg6[%get3A_794, %get3A_795] {strides = array<i32>} : memref<1024x96xf32, #tpu.memory_space<vmem>>, vector<16xf32>,
        %mul3A_797 = arith.mulf %broadcast_in_dim3A_785, %get3A_796 : vector<16xf32>
        %get3A_798 = arith.index_cast %squeeze3A_782 : i32 to index
        %get3A_799 = arith.constant 48 : index
        %get3A_800 = tpu.vector_load %arg6[%get3A_798, %get3A_799] {strides = array<i32>} : memref<1024x96xf32, #tpu.memory_space<vmem>>, vector<16xf32>,
        %mul3A_801 = arith.mulf %broadcast_in_dim3A_785, %get3A_800 : vector<16xf32>
        %get3A_802 = arith.index_cast %squeeze3A_782 : i32 to index
        %get3A_803 = arith.constant 64 : index
        %get3A_804 = tpu.vector_load %arg6[%get3A_802, %get3A_803] {strides = array<i32>} : memref<1024x96xf32, #tpu.memory_space<vmem>>, vector<16xf32>,
        %mul3A_805 = arith.mulf %broadcast_in_dim3A_785, %get3A_804 : vector<16xf32>
        %get3A_806 = arith.index_cast %squeeze3A_782 : i32 to index
        %get3A_807 = arith.constant 80 : index
        %get3A_808 = tpu.vector_load %arg6[%get3A_806, %get3A_807] {strides = array<i32>} : memref<1024x96xf32, #tpu.memory_space<vmem>>, vector<16xf32>,
        %mul3A_809 = arith.mulf %broadcast_in_dim3A_785, %get3A_808 : vector<16xf32>
        %add3A_810 = arith.addf %add3A_775, %mul3A_789 : vector<16xf32>
        %add3A_811 = arith.addf %add3A_776, %mul3A_793 : vector<16xf32>
        %add3A_812 = arith.addf %add3A_777, %mul3A_797 : vector<16xf32>
        %add3A_813 = arith.addf %add3A_778, %mul3A_801 : vector<16xf32>
        %add3A_814 = arith.addf %add3A_779, %mul3A_805 : vector<16xf32>
        %add3A_815 = arith.addf %add3A_780, %mul3A_809 : vector<16xf32>
        %slice3A_816 = vector.extract_strided_slice %get3A_713 {offsets = [3], sizes = [1], strides = [1]} : vector<16xi32> to vector<1xi32>
        %squeeze3A_817 = vector.extract %slice3A_816[0] : i32 from vector<1xi32>
        %slice3A_818 = vector.extract_strided_slice %get3A_716 {offsets = [3], sizes = [1], strides = [1]} : vector<16xf32> to vector<1xf32>
        %squeeze3A_819 = vector.extract %slice3A_818[0] : f32 from vector<1xf32>
        %broadcast_in_dim3A_820 = vector.broadcast %squeeze3A_819 : f32 to vector<16xf32>
        %get3A_821 = arith.index_cast %squeeze3A_817 : i32 to index
        %get3A_822 = arith.constant 0 : index
        %get3A_823 = tpu.vector_load %arg6[%get3A_821, %get3A_822] {strides = array<i32>} : memref<1024x96xf32, #tpu.memory_space<vmem>>, vector<16xf32>,
        %mul3A_824 = arith.mulf %broadcast_in_dim3A_820, %get3A_823 : vector<16xf32>
        %get3A_825 = arith.index_cast %squeeze3A_817 : i32 to index
        %get3A_826 = arith.constant 16 : index
        %get3A_827 = tpu.vector_load %arg6[%get3A_825, %get3A_826] {strides = array<i32>} : memref<1024x96xf32, #tpu.memory_space<vmem>>, vector<16xf32>,
        %mul3A_828 = arith.mulf %broadcast_in_dim3A_820, %get3A_827 : vector<16xf32>
        %get3A_829 = arith.index_cast %squeeze3A_817 : i32 to index
        %get3A_830 = arith.constant 32 : index
        %get3A_831 = tpu.vector_load %arg6[%get3A_829, %get3A_830] {strides = array<i32>} : memref<1024x96xf32, #tpu.memory_space<vmem>>, vector<16xf32>,
        %mul3A_832 = arith.mulf %broadcast_in_dim3A_820, %get3A_831 : vector<16xf32>
        %get3A_833 = arith.index_cast %squeeze3A_817 : i32 to index
        %get3A_834 = arith.constant 48 : index
        %get3A_835 = tpu.vector_load %arg6[%get3A_833, %get3A_834] {strides = array<i32>} : memref<1024x96xf32, #tpu.memory_space<vmem>>, vector<16xf32>,
        %mul3A_836 = arith.mulf %broadcast_in_dim3A_820, %get3A_835 : vector<16xf32>
        %get3A_837 = arith.index_cast %squeeze3A_817 : i32 to index
        %get3A_838 = arith.constant 64 : index
        %get3A_839 = tpu.vector_load %arg6[%get3A_837, %get3A_838] {strides = array<i32>} : memref<1024x96xf32, #tpu.memory_space<vmem>>, vector<16xf32>,
        %mul3A_840 = arith.mulf %broadcast_in_dim3A_820, %get3A_839 : vector<16xf32>
        %get3A_841 = arith.index_cast %squeeze3A_817 : i32 to index
        %get3A_842 = arith.constant 80 : index
        %get3A_843 = tpu.vector_load %arg6[%get3A_841, %get3A_842] {strides = array<i32>} : memref<1024x96xf32, #tpu.memory_space<vmem>>, vector<16xf32>,
        %mul3A_844 = arith.mulf %broadcast_in_dim3A_820, %get3A_843 : vector<16xf32>
        %add3A_845 = arith.addf %add3A_810, %mul3A_824 : vector<16xf32>
        %add3A_846 = arith.addf %add3A_811, %mul3A_828 : vector<16xf32>
        %add3A_847 = arith.addf %add3A_812, %mul3A_832 : vector<16xf32>
        %add3A_848 = arith.addf %add3A_813, %mul3A_836 : vector<16xf32>
        %add3A_849 = arith.addf %add3A_814, %mul3A_840 : vector<16xf32>
        %add3A_850 = arith.addf %add3A_815, %mul3A_844 : vector<16xf32>
        %slice3A_851 = vector.extract_strided_slice %get3A_713 {offsets = [4], sizes = [1], strides = [1]} : vector<16xi32> to vector<1xi32>
        %squeeze3A_852 = vector.extract %slice3A_851[0] : i32 from vector<1xi32>
        %slice3A_853 = vector.extract_strided_slice %get3A_716 {offsets = [4], sizes = [1], strides = [1]} : vector<16xf32> to vector<1xf32>
        %squeeze3A_854 = vector.extract %slice3A_853[0] : f32 from vector<1xf32>
        %broadcast_in_dim3A_855 = vector.broadcast %squeeze3A_854 : f32 to vector<16xf32>
        %get3A_856 = arith.index_cast %squeeze3A_852 : i32 to index
        %get3A_857 = arith.constant 0 : index
        %get3A_858 = tpu.vector_load %arg6[%get3A_856, %get3A_857] {strides = array<i32>} : memref<1024x96xf32, #tpu.memory_space<vmem>>, vector<16xf32>,
        %mul3A_859 = arith.mulf %broadcast_in_dim3A_855, %get3A_858 : vector<16xf32>
        %get3A_860 = arith.index_cast %squeeze3A_852 : i32 to index
        %get3A_861 = arith.constant 16 : index
        %get3A_862 = tpu.vector_load %arg6[%get3A_860, %get3A_861] {strides = array<i32>} : memref<1024x96xf32, #tpu.memory_space<vmem>>, vector<16xf32>,
        %mul3A_863 = arith.mulf %broadcast_in_dim3A_855, %get3A_862 : vector<16xf32>
        %get3A_864 = arith.index_cast %squeeze3A_852 : i32 to index
        %get3A_865 = arith.constant 32 : index
        %get3A_866 = tpu.vector_load %arg6[%get3A_864, %get3A_865] {strides = array<i32>} : memref<1024x96xf32, #tpu.memory_space<vmem>>, vector<16xf32>,
        %mul3A_867 = arith.mulf %broadcast_in_dim3A_855, %get3A_866 : vector<16xf32>
        %get3A_868 = arith.index_cast %squeeze3A_852 : i32 to index
        %get3A_869 = arith.constant 48 : index
        %get3A_870 = tpu.vector_load %arg6[%get3A_868, %get3A_869] {strides = array<i32>} : memref<1024x96xf32, #tpu.memory_space<vmem>>, vector<16xf32>,
        %mul3A_871 = arith.mulf %broadcast_in_dim3A_855, %get3A_870 : vector<16xf32>
        %get3A_872 = arith.index_cast %squeeze3A_852 : i32 to index
        %get3A_873 = arith.constant 64 : index
        %get3A_874 = tpu.vector_load %arg6[%get3A_872, %get3A_873] {strides = array<i32>} : memref<1024x96xf32, #tpu.memory_space<vmem>>, vector<16xf32>,
        %mul3A_875 = arith.mulf %broadcast_in_dim3A_855, %get3A_874 : vector<16xf32>
        %get3A_876 = arith.index_cast %squeeze3A_852 : i32 to index
        %get3A_877 = arith.constant 80 : index
        %get3A_878 = tpu.vector_load %arg6[%get3A_876, %get3A_877] {strides = array<i32>} : memref<1024x96xf32, #tpu.memory_space<vmem>>, vector<16xf32>,
        %mul3A_879 = arith.mulf %broadcast_in_dim3A_855, %get3A_878 : vector<16xf32>
        %add3A_880 = arith.addf %add3A_845, %mul3A_859 : vector<16xf32>
        %add3A_881 = arith.addf %add3A_846, %mul3A_863 : vector<16xf32>
        %add3A_882 = arith.addf %add3A_847, %mul3A_867 : vector<16xf32>
        %add3A_883 = arith.addf %add3A_848, %mul3A_871 : vector<16xf32>
        %add3A_884 = arith.addf %add3A_849, %mul3A_875 : vector<16xf32>
        %add3A_885 = arith.addf %add3A_850, %mul3A_879 : vector<16xf32>
        %slice3A_886 = vector.extract_strided_slice %get3A_713 {offsets = [5], sizes = [1], strides = [1]} : vector<16xi32> to vector<1xi32>
        %squeeze3A_887 = vector.extract %slice3A_886[0] : i32 from vector<1xi32>
        %slice3A_888 = vector.extract_strided_slice %get3A_716 {offsets = [5], sizes = [1], strides = [1]} : vector<16xf32> to vector<1xf32>
        %squeeze3A_889 = vector.extract %slice3A_888[0] : f32 from vector<1xf32>
        %broadcast_in_dim3A_890 = vector.broadcast %squeeze3A_889 : f32 to vector<16xf32>
        %get3A_891 = arith.index_cast %squeeze3A_887 : i32 to index
        %get3A_892 = arith.constant 0 : index
        %get3A_893 = tpu.vector_load %arg6[%get3A_891, %get3A_892] {strides = array<i32>} : memref<1024x96xf32, #tpu.memory_space<vmem>>, vector<16xf32>,
        %mul3A_894 = arith.mulf %broadcast_in_dim3A_890, %get3A_893 : vector<16xf32>
        %get3A_895 = arith.index_cast %squeeze3A_887 : i32 to index
        %get3A_896 = arith.constant 16 : index
        %get3A_897 = tpu.vector_load %arg6[%get3A_895, %get3A_896] {strides = array<i32>} : memref<1024x96xf32, #tpu.memory_space<vmem>>, vector<16xf32>,
        %mul3A_898 = arith.mulf %broadcast_in_dim3A_890, %get3A_897 : vector<16xf32>
        %get3A_899 = arith.index_cast %squeeze3A_887 : i32 to index
        %get3A_900 = arith.constant 32 : index
        %get3A_901 = tpu.vector_load %arg6[%get3A_899, %get3A_900] {strides = array<i32>} : memref<1024x96xf32, #tpu.memory_space<vmem>>, vector<16xf32>,
        %mul3A_902 = arith.mulf %broadcast_in_dim3A_890, %get3A_901 : vector<16xf32>
        %get3A_903 = arith.index_cast %squeeze3A_887 : i32 to index
        %get3A_904 = arith.constant 48 : index
        %get3A_905 = tpu.vector_load %arg6[%get3A_903, %get3A_904] {strides = array<i32>} : memref<1024x96xf32, #tpu.memory_space<vmem>>, vector<16xf32>,
        %mul3A_906 = arith.mulf %broadcast_in_dim3A_890, %get3A_905 : vector<16xf32>
        %get3A_907 = arith.index_cast %squeeze3A_887 : i32 to index
        %get3A_908 = arith.constant 64 : index
        %get3A_909 = tpu.vector_load %arg6[%get3A_907, %get3A_908] {strides = array<i32>} : memref<1024x96xf32, #tpu.memory_space<vmem>>, vector<16xf32>,
        %mul3A_910 = arith.mulf %broadcast_in_dim3A_890, %get3A_909 : vector<16xf32>
        %get3A_911 = arith.index_cast %squeeze3A_887 : i32 to index
        %get3A_912 = arith.constant 80 : index
        %get3A_913 = tpu.vector_load %arg6[%get3A_911, %get3A_912] {strides = array<i32>} : memref<1024x96xf32, #tpu.memory_space<vmem>>, vector<16xf32>,
        %mul3A_914 = arith.mulf %broadcast_in_dim3A_890, %get3A_913 : vector<16xf32>
        %add3A_915 = arith.addf %add3A_880, %mul3A_894 : vector<16xf32>
        %add3A_916 = arith.addf %add3A_881, %mul3A_898 : vector<16xf32>
        %add3A_917 = arith.addf %add3A_882, %mul3A_902 : vector<16xf32>
        %add3A_918 = arith.addf %add3A_883, %mul3A_906 : vector<16xf32>
        %add3A_919 = arith.addf %add3A_884, %mul3A_910 : vector<16xf32>
        %add3A_920 = arith.addf %add3A_885, %mul3A_914 : vector<16xf32>
        %slice3A_921 = vector.extract_strided_slice %get3A_713 {offsets = [6], sizes = [1], strides = [1]} : vector<16xi32> to vector<1xi32>
        %squeeze3A_922 = vector.extract %slice3A_921[0] : i32 from vector<1xi32>
        %slice3A_923 = vector.extract_strided_slice %get3A_716 {offsets = [6], sizes = [1], strides = [1]} : vector<16xf32> to vector<1xf32>
        %squeeze3A_924 = vector.extract %slice3A_923[0] : f32 from vector<1xf32>
        %broadcast_in_dim3A_925 = vector.broadcast %squeeze3A_924 : f32 to vector<16xf32>
        %get3A_926 = arith.index_cast %squeeze3A_922 : i32 to index
        %get3A_927 = arith.constant 0 : index
        %get3A_928 = tpu.vector_load %arg6[%get3A_926, %get3A_927] {strides = array<i32>} : memref<1024x96xf32, #tpu.memory_space<vmem>>, vector<16xf32>,
        %mul3A_929 = arith.mulf %broadcast_in_dim3A_925, %get3A_928 : vector<16xf32>
        %get3A_930 = arith.index_cast %squeeze3A_922 : i32 to index
        %get3A_931 = arith.constant 16 : index
        %get3A_932 = tpu.vector_load %arg6[%get3A_930, %get3A_931] {strides = array<i32>} : memref<1024x96xf32, #tpu.memory_space<vmem>>, vector<16xf32>,
        %mul3A_933 = arith.mulf %broadcast_in_dim3A_925, %get3A_932 : vector<16xf32>
        %get3A_934 = arith.index_cast %squeeze3A_922 : i32 to index
        %get3A_935 = arith.constant 32 : index
        %get3A_936 = tpu.vector_load %arg6[%get3A_934, %get3A_935] {strides = array<i32>} : memref<1024x96xf32, #tpu.memory_space<vmem>>, vector<16xf32>,
        %mul3A_937 = arith.mulf %broadcast_in_dim3A_925, %get3A_936 : vector<16xf32>
        %get3A_938 = arith.index_cast %squeeze3A_922 : i32 to index
        %get3A_939 = arith.constant 48 : index
        %get3A_940 = tpu.vector_load %arg6[%get3A_938, %get3A_939] {strides = array<i32>} : memref<1024x96xf32, #tpu.memory_space<vmem>>, vector<16xf32>,
        %mul3A_941 = arith.mulf %broadcast_in_dim3A_925, %get3A_940 : vector<16xf32>
        %get3A_942 = arith.index_cast %squeeze3A_922 : i32 to index
        %get3A_943 = arith.constant 64 : index
        %get3A_944 = tpu.vector_load %arg6[%get3A_942, %get3A_943] {strides = array<i32>} : memref<1024x96xf32, #tpu.memory_space<vmem>>, vector<16xf32>,
        %mul3A_945 = arith.mulf %broadcast_in_dim3A_925, %get3A_944 : vector<16xf32>
        %get3A_946 = arith.index_cast %squeeze3A_922 : i32 to index
        %get3A_947 = arith.constant 80 : index
        %get3A_948 = tpu.vector_load %arg6[%get3A_946, %get3A_947] {strides = array<i32>} : memref<1024x96xf32, #tpu.memory_space<vmem>>, vector<16xf32>,
        %mul3A_949 = arith.mulf %broadcast_in_dim3A_925, %get3A_948 : vector<16xf32>
        %add3A_950 = arith.addf %add3A_915, %mul3A_929 : vector<16xf32>
        %add3A_951 = arith.addf %add3A_916, %mul3A_933 : vector<16xf32>
        %add3A_952 = arith.addf %add3A_917, %mul3A_937 : vector<16xf32>
        %add3A_953 = arith.addf %add3A_918, %mul3A_941 : vector<16xf32>
        %add3A_954 = arith.addf %add3A_919, %mul3A_945 : vector<16xf32>
        %add3A_955 = arith.addf %add3A_920, %mul3A_949 : vector<16xf32>
        %slice3A_956 = vector.extract_strided_slice %get3A_713 {offsets = [7], sizes = [1], strides = [1]} : vector<16xi32> to vector<1xi32>
        %squeeze3A_957 = vector.extract %slice3A_956[0] : i32 from vector<1xi32>
        %slice3A_958 = vector.extract_strided_slice %get3A_716 {offsets = [7], sizes = [1], strides = [1]} : vector<16xf32> to vector<1xf32>
        %squeeze3A_959 = vector.extract %slice3A_958[0] : f32 from vector<1xf32>
        %broadcast_in_dim3A_960 = vector.broadcast %squeeze3A_959 : f32 to vector<16xf32>
        %get3A_961 = arith.index_cast %squeeze3A_957 : i32 to index
        %get3A_962 = arith.constant 0 : index
        %get3A_963 = tpu.vector_load %arg6[%get3A_961, %get3A_962] {strides = array<i32>} : memref<1024x96xf32, #tpu.memory_space<vmem>>, vector<16xf32>,
        %mul3A_964 = arith.mulf %broadcast_in_dim3A_960, %get3A_963 : vector<16xf32>
        %get3A_965 = arith.index_cast %squeeze3A_957 : i32 to index
        %get3A_966 = arith.constant 16 : index
        %get3A_967 = tpu.vector_load %arg6[%get3A_965, %get3A_966] {strides = array<i32>} : memref<1024x96xf32, #tpu.memory_space<vmem>>, vector<16xf32>,
        %mul3A_968 = arith.mulf %broadcast_in_dim3A_960, %get3A_967 : vector<16xf32>
        %get3A_969 = arith.index_cast %squeeze3A_957 : i32 to index
        %get3A_970 = arith.constant 32 : index
        %get3A_971 = tpu.vector_load %arg6[%get3A_969, %get3A_970] {strides = array<i32>} : memref<1024x96xf32, #tpu.memory_space<vmem>>, vector<16xf32>,
        %mul3A_972 = arith.mulf %broadcast_in_dim3A_960, %get3A_971 : vector<16xf32>
        %get3A_973 = arith.index_cast %squeeze3A_957 : i32 to index
        %get3A_974 = arith.constant 48 : index
        %get3A_975 = tpu.vector_load %arg6[%get3A_973, %get3A_974] {strides = array<i32>} : memref<1024x96xf32, #tpu.memory_space<vmem>>, vector<16xf32>,
        %mul3A_976 = arith.mulf %broadcast_in_dim3A_960, %get3A_975 : vector<16xf32>
        %get3A_977 = arith.index_cast %squeeze3A_957 : i32 to index
        %get3A_978 = arith.constant 64 : index
        %get3A_979 = tpu.vector_load %arg6[%get3A_977, %get3A_978] {strides = array<i32>} : memref<1024x96xf32, #tpu.memory_space<vmem>>, vector<16xf32>,
        %mul3A_980 = arith.mulf %broadcast_in_dim3A_960, %get3A_979 : vector<16xf32>
        %get3A_981 = arith.index_cast %squeeze3A_957 : i32 to index
        %get3A_982 = arith.constant 80 : index
        %get3A_983 = tpu.vector_load %arg6[%get3A_981, %get3A_982] {strides = array<i32>} : memref<1024x96xf32, #tpu.memory_space<vmem>>, vector<16xf32>,
        %mul3A_984 = arith.mulf %broadcast_in_dim3A_960, %get3A_983 : vector<16xf32>
        %add3A_985 = arith.addf %add3A_950, %mul3A_964 : vector<16xf32>
        %add3A_986 = arith.addf %add3A_951, %mul3A_968 : vector<16xf32>
        %add3A_987 = arith.addf %add3A_952, %mul3A_972 : vector<16xf32>
        %add3A_988 = arith.addf %add3A_953, %mul3A_976 : vector<16xf32>
        %add3A_989 = arith.addf %add3A_954, %mul3A_980 : vector<16xf32>
        %add3A_990 = arith.addf %add3A_955, %mul3A_984 : vector<16xf32>
        %slice3A_991 = vector.extract_strided_slice %get3A_713 {offsets = [8], sizes = [1], strides = [1]} : vector<16xi32> to vector<1xi32>
        %squeeze3A_992 = vector.extract %slice3A_991[0] : i32 from vector<1xi32>
        %slice3A_993 = vector.extract_strided_slice %get3A_716 {offsets = [8], sizes = [1], strides = [1]} : vector<16xf32> to vector<1xf32>
        %squeeze3A_994 = vector.extract %slice3A_993[0] : f32 from vector<1xf32>
        %broadcast_in_dim3A_995 = vector.broadcast %squeeze3A_994 : f32 to vector<16xf32>
        %get3A_996 = arith.index_cast %squeeze3A_992 : i32 to index
        %get3A_997 = arith.constant 0 : index
        %get3A_998 = tpu.vector_load %arg6[%get3A_996, %get3A_997] {strides = array<i32>} : memref<1024x96xf32, #tpu.memory_space<vmem>>, vector<16xf32>,
        %mul3A_999 = arith.mulf %broadcast_in_dim3A_995, %get3A_998 : vector<16xf32>
        %get3A_1000 = arith.index_cast %squeeze3A_992 : i32 to index
        %get3A_1001 = arith.constant 16 : index
        %get3A_1002 = tpu.vector_load %arg6[%get3A_1000, %get3A_1001] {strides = array<i32>} : memref<1024x96xf32, #tpu.memory_space<vmem>>, vector<16xf32>,
        %mul3A_1003 = arith.mulf %broadcast_in_dim3A_995, %get3A_1002 : vector<16xf32>
        %get3A_1004 = arith.index_cast %squeeze3A_992 : i32 to index
        %get3A_1005 = arith.constant 32 : index
        %get3A_1006 = tpu.vector_load %arg6[%get3A_1004, %get3A_1005] {strides = array<i32>} : memref<1024x96xf32, #tpu.memory_space<vmem>>, vector<16xf32>,
        %mul3A_1007 = arith.mulf %broadcast_in_dim3A_995, %get3A_1006 : vector<16xf32>
        %get3A_1008 = arith.index_cast %squeeze3A_992 : i32 to index
        %get3A_1009 = arith.constant 48 : index
        %get3A_1010 = tpu.vector_load %arg6[%get3A_1008, %get3A_1009] {strides = array<i32>} : memref<1024x96xf32, #tpu.memory_space<vmem>>, vector<16xf32>,
        %mul3A_1011 = arith.mulf %broadcast_in_dim3A_995, %get3A_1010 : vector<16xf32>
        %get3A_1012 = arith.index_cast %squeeze3A_992 : i32 to index
        %get3A_1013 = arith.constant 64 : index
        %get3A_1014 = tpu.vector_load %arg6[%get3A_1012, %get3A_1013] {strides = array<i32>} : memref<1024x96xf32, #tpu.memory_space<vmem>>, vector<16xf32>,
        %mul3A_1015 = arith.mulf %broadcast_in_dim3A_995, %get3A_1014 : vector<16xf32>
        %get3A_1016 = arith.index_cast %squeeze3A_992 : i32 to index
        %get3A_1017 = arith.constant 80 : index
        %get3A_1018 = tpu.vector_load %arg6[%get3A_1016, %get3A_1017] {strides = array<i32>} : memref<1024x96xf32, #tpu.memory_space<vmem>>, vector<16xf32>,
        %mul3A_1019 = arith.mulf %broadcast_in_dim3A_995, %get3A_1018 : vector<16xf32>
        %add3A_1020 = arith.addf %add3A_985, %mul3A_999 : vector<16xf32>
        %add3A_1021 = arith.addf %add3A_986, %mul3A_1003 : vector<16xf32>
        %add3A_1022 = arith.addf %add3A_987, %mul3A_1007 : vector<16xf32>
        %add3A_1023 = arith.addf %add3A_988, %mul3A_1011 : vector<16xf32>
        %add3A_1024 = arith.addf %add3A_989, %mul3A_1015 : vector<16xf32>
        %add3A_1025 = arith.addf %add3A_990, %mul3A_1019 : vector<16xf32>
        %slice3A_1026 = vector.extract_strided_slice %get3A_713 {offsets = [9], sizes = [1], strides = [1]} : vector<16xi32> to vector<1xi32>
        %squeeze3A_1027 = vector.extract %slice3A_1026[0] : i32 from vector<1xi32>
        %slice3A_1028 = vector.extract_strided_slice %get3A_716 {offsets = [9], sizes = [1], strides = [1]} : vector<16xf32> to vector<1xf32>
        %squeeze3A_1029 = vector.extract %slice3A_1028[0] : f32 from vector<1xf32>
        %broadcast_in_dim3A_1030 = vector.broadcast %squeeze3A_1029 : f32 to vector<16xf32>
        %get3A_1031 = arith.index_cast %squeeze3A_1027 : i32 to index
        %get3A_1032 = arith.constant 0 : index
        %get3A_1033 = tpu.vector_load %arg6[%get3A_1031, %get3A_1032] {strides = array<i32>} : memref<1024x96xf32, #tpu.memory_space<vmem>>, vector<16xf32>,
        %mul3A_1034 = arith.mulf %broadcast_in_dim3A_1030, %get3A_1033 : vector<16xf32>
        %get3A_1035 = arith.index_cast %squeeze3A_1027 : i32 to index
        %get3A_1036 = arith.constant 16 : index
        %get3A_1037 = tpu.vector_load %arg6[%get3A_1035, %get3A_1036] {strides = array<i32>} : memref<1024x96xf32, #tpu.memory_space<vmem>>, vector<16xf32>,
        %mul3A_1038 = arith.mulf %broadcast_in_dim3A_1030, %get3A_1037 : vector<16xf32>
        %get3A_1039 = arith.index_cast %squeeze3A_1027 : i32 to index
        %get3A_1040 = arith.constant 32 : index
        %get3A_1041 = tpu.vector_load %arg6[%get3A_1039, %get3A_1040] {strides = array<i32>} : memref<1024x96xf32, #tpu.memory_space<vmem>>, vector<16xf32>,
        %mul3A_1042 = arith.mulf %broadcast_in_dim3A_1030, %get3A_1041 : vector<16xf32>
        %get3A_1043 = arith.index_cast %squeeze3A_1027 : i32 to index
        %get3A_1044 = arith.constant 48 : index
        %get3A_1045 = tpu.vector_load %arg6[%get3A_1043, %get3A_1044] {strides = array<i32>} : memref<1024x96xf32, #tpu.memory_space<vmem>>, vector<16xf32>,
        %mul3A_1046 = arith.mulf %broadcast_in_dim3A_1030, %get3A_1045 : vector<16xf32>
        %get3A_1047 = arith.index_cast %squeeze3A_1027 : i32 to index
        %get3A_1048 = arith.constant 64 : index
        %get3A_1049 = tpu.vector_load %arg6[%get3A_1047, %get3A_1048] {strides = array<i32>} : memref<1024x96xf32, #tpu.memory_space<vmem>>, vector<16xf32>,
        %mul3A_1050 = arith.mulf %broadcast_in_dim3A_1030, %get3A_1049 : vector<16xf32>
        %get3A_1051 = arith.index_cast %squeeze3A_1027 : i32 to index
        %get3A_1052 = arith.constant 80 : index
        %get3A_1053 = tpu.vector_load %arg6[%get3A_1051, %get3A_1052] {strides = array<i32>} : memref<1024x96xf32, #tpu.memory_space<vmem>>, vector<16xf32>,
        %mul3A_1054 = arith.mulf %broadcast_in_dim3A_1030, %get3A_1053 : vector<16xf32>
        %add3A_1055 = arith.addf %add3A_1020, %mul3A_1034 : vector<16xf32>
        %add3A_1056 = arith.addf %add3A_1021, %mul3A_1038 : vector<16xf32>
        %add3A_1057 = arith.addf %add3A_1022, %mul3A_1042 : vector<16xf32>
        %add3A_1058 = arith.addf %add3A_1023, %mul3A_1046 : vector<16xf32>
        %add3A_1059 = arith.addf %add3A_1024, %mul3A_1050 : vector<16xf32>
        %add3A_1060 = arith.addf %add3A_1025, %mul3A_1054 : vector<16xf32>
        %slice3A_1061 = vector.extract_strided_slice %get3A_713 {offsets = [10], sizes = [1], strides = [1]} : vector<16xi32> to vector<1xi32>
        %squeeze3A_1062 = vector.extract %slice3A_1061[0] : i32 from vector<1xi32>
        %slice3A_1063 = vector.extract_strided_slice %get3A_716 {offsets = [10], sizes = [1], strides = [1]} : vector<16xf32> to vector<1xf32>
        %squeeze3A_1064 = vector.extract %slice3A_1063[0] : f32 from vector<1xf32>
        %broadcast_in_dim3A_1065 = vector.broadcast %squeeze3A_1064 : f32 to vector<16xf32>
        %get3A_1066 = arith.index_cast %squeeze3A_1062 : i32 to index
        %get3A_1067 = arith.constant 0 : index
        %get3A_1068 = tpu.vector_load %arg6[%get3A_1066, %get3A_1067] {strides = array<i32>} : memref<1024x96xf32, #tpu.memory_space<vmem>>, vector<16xf32>,
        %mul3A_1069 = arith.mulf %broadcast_in_dim3A_1065, %get3A_1068 : vector<16xf32>
        %get3A_1070 = arith.index_cast %squeeze3A_1062 : i32 to index
        %get3A_1071 = arith.constant 16 : index
        %get3A_1072 = tpu.vector_load %arg6[%get3A_1070, %get3A_1071] {strides = array<i32>} : memref<1024x96xf32, #tpu.memory_space<vmem>>, vector<16xf32>,
        %mul3A_1073 = arith.mulf %broadcast_in_dim3A_1065, %get3A_1072 : vector<16xf32>
        %get3A_1074 = arith.index_cast %squeeze3A_1062 : i32 to index
        %get3A_1075 = arith.constant 32 : index
        %get3A_1076 = tpu.vector_load %arg6[%get3A_1074, %get3A_1075] {strides = array<i32>} : memref<1024x96xf32, #tpu.memory_space<vmem>>, vector<16xf32>,
        %mul3A_1077 = arith.mulf %broadcast_in_dim3A_1065, %get3A_1076 : vector<16xf32>
        %get3A_1078 = arith.index_cast %squeeze3A_1062 : i32 to index
        %get3A_1079 = arith.constant 48 : index
        %get3A_1080 = tpu.vector_load %arg6[%get3A_1078, %get3A_1079] {strides = array<i32>} : memref<1024x96xf32, #tpu.memory_space<vmem>>, vector<16xf32>,
        %mul3A_1081 = arith.mulf %broadcast_in_dim3A_1065, %get3A_1080 : vector<16xf32>
        %get3A_1082 = arith.index_cast %squeeze3A_1062 : i32 to index
        %get3A_1083 = arith.constant 64 : index
        %get3A_1084 = tpu.vector_load %arg6[%get3A_1082, %get3A_1083] {strides = array<i32>} : memref<1024x96xf32, #tpu.memory_space<vmem>>, vector<16xf32>,
        %mul3A_1085 = arith.mulf %broadcast_in_dim3A_1065, %get3A_1084 : vector<16xf32>
        %get3A_1086 = arith.index_cast %squeeze3A_1062 : i32 to index
        %get3A_1087 = arith.constant 80 : index
        %get3A_1088 = tpu.vector_load %arg6[%get3A_1086, %get3A_1087] {strides = array<i32>} : memref<1024x96xf32, #tpu.memory_space<vmem>>, vector<16xf32>,
        %mul3A_1089 = arith.mulf %broadcast_in_dim3A_1065, %get3A_1088 : vector<16xf32>
        %add3A_1090 = arith.addf %add3A_1055, %mul3A_1069 : vector<16xf32>
        %add3A_1091 = arith.addf %add3A_1056, %mul3A_1073 : vector<16xf32>
        %add3A_1092 = arith.addf %add3A_1057, %mul3A_1077 : vector<16xf32>
        %add3A_1093 = arith.addf %add3A_1058, %mul3A_1081 : vector<16xf32>
        %add3A_1094 = arith.addf %add3A_1059, %mul3A_1085 : vector<16xf32>
        %add3A_1095 = arith.addf %add3A_1060, %mul3A_1089 : vector<16xf32>
        %slice3A_1096 = vector.extract_strided_slice %get3A_713 {offsets = [11], sizes = [1], strides = [1]} : vector<16xi32> to vector<1xi32>
        %squeeze3A_1097 = vector.extract %slice3A_1096[0] : i32 from vector<1xi32>
        %slice3A_1098 = vector.extract_strided_slice %get3A_716 {offsets = [11], sizes = [1], strides = [1]} : vector<16xf32> to vector<1xf32>
        %squeeze3A_1099 = vector.extract %slice3A_1098[0] : f32 from vector<1xf32>
        %broadcast_in_dim3A_1100 = vector.broadcast %squeeze3A_1099 : f32 to vector<16xf32>
        %get3A_1101 = arith.index_cast %squeeze3A_1097 : i32 to index
        %get3A_1102 = arith.constant 0 : index
        %get3A_1103 = tpu.vector_load %arg6[%get3A_1101, %get3A_1102] {strides = array<i32>} : memref<1024x96xf32, #tpu.memory_space<vmem>>, vector<16xf32>,
        %mul3A_1104 = arith.mulf %broadcast_in_dim3A_1100, %get3A_1103 : vector<16xf32>
        %get3A_1105 = arith.index_cast %squeeze3A_1097 : i32 to index
        %get3A_1106 = arith.constant 16 : index
        %get3A_1107 = tpu.vector_load %arg6[%get3A_1105, %get3A_1106] {strides = array<i32>} : memref<1024x96xf32, #tpu.memory_space<vmem>>, vector<16xf32>,
        %mul3A_1108 = arith.mulf %broadcast_in_dim3A_1100, %get3A_1107 : vector<16xf32>
        %get3A_1109 = arith.index_cast %squeeze3A_1097 : i32 to index
        %get3A_1110 = arith.constant 32 : index
        %get3A_1111 = tpu.vector_load %arg6[%get3A_1109, %get3A_1110] {strides = array<i32>} : memref<1024x96xf32, #tpu.memory_space<vmem>>, vector<16xf32>,
        %mul3A_1112 = arith.mulf %broadcast_in_dim3A_1100, %get3A_1111 : vector<16xf32>
        %get3A_1113 = arith.index_cast %squeeze3A_1097 : i32 to index
        %get3A_1114 = arith.constant 48 : index
        %get3A_1115 = tpu.vector_load %arg6[%get3A_1113, %get3A_1114] {strides = array<i32>} : memref<1024x96xf32, #tpu.memory_space<vmem>>, vector<16xf32>,
        %mul3A_1116 = arith.mulf %broadcast_in_dim3A_1100, %get3A_1115 : vector<16xf32>
        %get3A_1117 = arith.index_cast %squeeze3A_1097 : i32 to index
        %get3A_1118 = arith.constant 64 : index
        %get3A_1119 = tpu.vector_load %arg6[%get3A_1117, %get3A_1118] {strides = array<i32>} : memref<1024x96xf32, #tpu.memory_space<vmem>>, vector<16xf32>,
        %mul3A_1120 = arith.mulf %broadcast_in_dim3A_1100, %get3A_1119 : vector<16xf32>
        %get3A_1121 = arith.index_cast %squeeze3A_1097 : i32 to index
        %get3A_1122 = arith.constant 80 : index
        %get3A_1123 = tpu.vector_load %arg6[%get3A_1121, %get3A_1122] {strides = array<i32>} : memref<1024x96xf32, #tpu.memory_space<vmem>>, vector<16xf32>,
        %mul3A_1124 = arith.mulf %broadcast_in_dim3A_1100, %get3A_1123 : vector<16xf32>
        %add3A_1125 = arith.addf %add3A_1090, %mul3A_1104 : vector<16xf32>
        %add3A_1126 = arith.addf %add3A_1091, %mul3A_1108 : vector<16xf32>
        %add3A_1127 = arith.addf %add3A_1092, %mul3A_1112 : vector<16xf32>
        %add3A_1128 = arith.addf %add3A_1093, %mul3A_1116 : vector<16xf32>
        %add3A_1129 = arith.addf %add3A_1094, %mul3A_1120 : vector<16xf32>
        %add3A_1130 = arith.addf %add3A_1095, %mul3A_1124 : vector<16xf32>
        %slice3A_1131 = vector.extract_strided_slice %get3A_713 {offsets = [12], sizes = [1], strides = [1]} : vector<16xi32> to vector<1xi32>
        %squeeze3A_1132 = vector.extract %slice3A_1131[0] : i32 from vector<1xi32>
        %slice3A_1133 = vector.extract_strided_slice %get3A_716 {offsets = [12], sizes = [1], strides = [1]} : vector<16xf32> to vector<1xf32>
        %squeeze3A_1134 = vector.extract %slice3A_1133[0] : f32 from vector<1xf32>
        %broadcast_in_dim3A_1135 = vector.broadcast %squeeze3A_1134 : f32 to vector<16xf32>
        %get3A_1136 = arith.index_cast %squeeze3A_1132 : i32 to index
        %get3A_1137 = arith.constant 0 : index
        %get3A_1138 = tpu.vector_load %arg6[%get3A_1136, %get3A_1137] {strides = array<i32>} : memref<1024x96xf32, #tpu.memory_space<vmem>>, vector<16xf32>,
        %mul3A_1139 = arith.mulf %broadcast_in_dim3A_1135, %get3A_1138 : vector<16xf32>
        %get3A_1140 = arith.index_cast %squeeze3A_1132 : i32 to index
        %get3A_1141 = arith.constant 16 : index
        %get3A_1142 = tpu.vector_load %arg6[%get3A_1140, %get3A_1141] {strides = array<i32>} : memref<1024x96xf32, #tpu.memory_space<vmem>>, vector<16xf32>,
        %mul3A_1143 = arith.mulf %broadcast_in_dim3A_1135, %get3A_1142 : vector<16xf32>
        %get3A_1144 = arith.index_cast %squeeze3A_1132 : i32 to index
        %get3A_1145 = arith.constant 32 : index
        %get3A_1146 = tpu.vector_load %arg6[%get3A_1144, %get3A_1145] {strides = array<i32>} : memref<1024x96xf32, #tpu.memory_space<vmem>>, vector<16xf32>,
        %mul3A_1147 = arith.mulf %broadcast_in_dim3A_1135, %get3A_1146 : vector<16xf32>
        %get3A_1148 = arith.index_cast %squeeze3A_1132 : i32 to index
        %get3A_1149 = arith.constant 48 : index
        %get3A_1150 = tpu.vector_load %arg6[%get3A_1148, %get3A_1149] {strides = array<i32>} : memref<1024x96xf32, #tpu.memory_space<vmem>>, vector<16xf32>,
        %mul3A_1151 = arith.mulf %broadcast_in_dim3A_1135, %get3A_1150 : vector<16xf32>
        %get3A_1152 = arith.index_cast %squeeze3A_1132 : i32 to index
        %get3A_1153 = arith.constant 64 : index
        %get3A_1154 = tpu.vector_load %arg6[%get3A_1152, %get3A_1153] {strides = array<i32>} : memref<1024x96xf32, #tpu.memory_space<vmem>>, vector<16xf32>,
        %mul3A_1155 = arith.mulf %broadcast_in_dim3A_1135, %get3A_1154 : vector<16xf32>
        %get3A_1156 = arith.index_cast %squeeze3A_1132 : i32 to index
        %get3A_1157 = arith.constant 80 : index
        %get3A_1158 = tpu.vector_load %arg6[%get3A_1156, %get3A_1157] {strides = array<i32>} : memref<1024x96xf32, #tpu.memory_space<vmem>>, vector<16xf32>,
        %mul3A_1159 = arith.mulf %broadcast_in_dim3A_1135, %get3A_1158 : vector<16xf32>
        %add3A_1160 = arith.addf %add3A_1125, %mul3A_1139 : vector<16xf32>
        %add3A_1161 = arith.addf %add3A_1126, %mul3A_1143 : vector<16xf32>
        %add3A_1162 = arith.addf %add3A_1127, %mul3A_1147 : vector<16xf32>
        %add3A_1163 = arith.addf %add3A_1128, %mul3A_1151 : vector<16xf32>
        %add3A_1164 = arith.addf %add3A_1129, %mul3A_1155 : vector<16xf32>
        %add3A_1165 = arith.addf %add3A_1130, %mul3A_1159 : vector<16xf32>
        %slice3A_1166 = vector.extract_strided_slice %get3A_713 {offsets = [13], sizes = [1], strides = [1]} : vector<16xi32> to vector<1xi32>
        %squeeze3A_1167 = vector.extract %slice3A_1166[0] : i32 from vector<1xi32>
        %slice3A_1168 = vector.extract_strided_slice %get3A_716 {offsets = [13], sizes = [1], strides = [1]} : vector<16xf32> to vector<1xf32>
        %squeeze3A_1169 = vector.extract %slice3A_1168[0] : f32 from vector<1xf32>
        %broadcast_in_dim3A_1170 = vector.broadcast %squeeze3A_1169 : f32 to vector<16xf32>
        %get3A_1171 = arith.index_cast %squeeze3A_1167 : i32 to index
        %get3A_1172 = arith.constant 0 : index
        %get3A_1173 = tpu.vector_load %arg6[%get3A_1171, %get3A_1172] {strides = array<i32>} : memref<1024x96xf32, #tpu.memory_space<vmem>>, vector<16xf32>,
        %mul3A_1174 = arith.mulf %broadcast_in_dim3A_1170, %get3A_1173 : vector<16xf32>
        %get3A_1175 = arith.index_cast %squeeze3A_1167 : i32 to index
        %get3A_1176 = arith.constant 16 : index
        %get3A_1177 = tpu.vector_load %arg6[%get3A_1175, %get3A_1176] {strides = array<i32>} : memref<1024x96xf32, #tpu.memory_space<vmem>>, vector<16xf32>,
        %mul3A_1178 = arith.mulf %broadcast_in_dim3A_1170, %get3A_1177 : vector<16xf32>
        %get3A_1179 = arith.index_cast %squeeze3A_1167 : i32 to index
        %get3A_1180 = arith.constant 32 : index
        %get3A_1181 = tpu.vector_load %arg6[%get3A_1179, %get3A_1180] {strides = array<i32>} : memref<1024x96xf32, #tpu.memory_space<vmem>>, vector<16xf32>,
        %mul3A_1182 = arith.mulf %broadcast_in_dim3A_1170, %get3A_1181 : vector<16xf32>
        %get3A_1183 = arith.index_cast %squeeze3A_1167 : i32 to index
        %get3A_1184 = arith.constant 48 : index
        %get3A_1185 = tpu.vector_load %arg6[%get3A_1183, %get3A_1184] {strides = array<i32>} : memref<1024x96xf32, #tpu.memory_space<vmem>>, vector<16xf32>,
        %mul3A_1186 = arith.mulf %broadcast_in_dim3A_1170, %get3A_1185 : vector<16xf32>
        %get3A_1187 = arith.index_cast %squeeze3A_1167 : i32 to index
        %get3A_1188 = arith.constant 64 : index
        %get3A_1189 = tpu.vector_load %arg6[%get3A_1187, %get3A_1188] {strides = array<i32>} : memref<1024x96xf32, #tpu.memory_space<vmem>>, vector<16xf32>,
        %mul3A_1190 = arith.mulf %broadcast_in_dim3A_1170, %get3A_1189 : vector<16xf32>
        %get3A_1191 = arith.index_cast %squeeze3A_1167 : i32 to index
        %get3A_1192 = arith.constant 80 : index
        %get3A_1193 = tpu.vector_load %arg6[%get3A_1191, %get3A_1192] {strides = array<i32>} : memref<1024x96xf32, #tpu.memory_space<vmem>>, vector<16xf32>,
        %mul3A_1194 = arith.mulf %broadcast_in_dim3A_1170, %get3A_1193 : vector<16xf32>
        %add3A_1195 = arith.addf %add3A_1160, %mul3A_1174 : vector<16xf32>
        %add3A_1196 = arith.addf %add3A_1161, %mul3A_1178 : vector<16xf32>
        %add3A_1197 = arith.addf %add3A_1162, %mul3A_1182 : vector<16xf32>
        %add3A_1198 = arith.addf %add3A_1163, %mul3A_1186 : vector<16xf32>
        %add3A_1199 = arith.addf %add3A_1164, %mul3A_1190 : vector<16xf32>
        %add3A_1200 = arith.addf %add3A_1165, %mul3A_1194 : vector<16xf32>
        %slice3A_1201 = vector.extract_strided_slice %get3A_713 {offsets = [14], sizes = [1], strides = [1]} : vector<16xi32> to vector<1xi32>
        %squeeze3A_1202 = vector.extract %slice3A_1201[0] : i32 from vector<1xi32>
        %slice3A_1203 = vector.extract_strided_slice %get3A_716 {offsets = [14], sizes = [1], strides = [1]} : vector<16xf32> to vector<1xf32>
        %squeeze3A_1204 = vector.extract %slice3A_1203[0] : f32 from vector<1xf32>
        %broadcast_in_dim3A_1205 = vector.broadcast %squeeze3A_1204 : f32 to vector<16xf32>
        %get3A_1206 = arith.index_cast %squeeze3A_1202 : i32 to index
        %get3A_1207 = arith.constant 0 : index
        %get3A_1208 = tpu.vector_load %arg6[%get3A_1206, %get3A_1207] {strides = array<i32>} : memref<1024x96xf32, #tpu.memory_space<vmem>>, vector<16xf32>,
        %mul3A_1209 = arith.mulf %broadcast_in_dim3A_1205, %get3A_1208 : vector<16xf32>
        %get3A_1210 = arith.index_cast %squeeze3A_1202 : i32 to index
        %get3A_1211 = arith.constant 16 : index
        %get3A_1212 = tpu.vector_load %arg6[%get3A_1210, %get3A_1211] {strides = array<i32>} : memref<1024x96xf32, #tpu.memory_space<vmem>>, vector<16xf32>,
        %mul3A_1213 = arith.mulf %broadcast_in_dim3A_1205, %get3A_1212 : vector<16xf32>
        %get3A_1214 = arith.index_cast %squeeze3A_1202 : i32 to index
        %get3A_1215 = arith.constant 32 : index
        %get3A_1216 = tpu.vector_load %arg6[%get3A_1214, %get3A_1215] {strides = array<i32>} : memref<1024x96xf32, #tpu.memory_space<vmem>>, vector<16xf32>,
        %mul3A_1217 = arith.mulf %broadcast_in_dim3A_1205, %get3A_1216 : vector<16xf32>
        %get3A_1218 = arith.index_cast %squeeze3A_1202 : i32 to index
        %get3A_1219 = arith.constant 48 : index
        %get3A_1220 = tpu.vector_load %arg6[%get3A_1218, %get3A_1219] {strides = array<i32>} : memref<1024x96xf32, #tpu.memory_space<vmem>>, vector<16xf32>,
        %mul3A_1221 = arith.mulf %broadcast_in_dim3A_1205, %get3A_1220 : vector<16xf32>
        %get3A_1222 = arith.index_cast %squeeze3A_1202 : i32 to index
        %get3A_1223 = arith.constant 64 : index
        %get3A_1224 = tpu.vector_load %arg6[%get3A_1222, %get3A_1223] {strides = array<i32>} : memref<1024x96xf32, #tpu.memory_space<vmem>>, vector<16xf32>,
        %mul3A_1225 = arith.mulf %broadcast_in_dim3A_1205, %get3A_1224 : vector<16xf32>
        %get3A_1226 = arith.index_cast %squeeze3A_1202 : i32 to index
        %get3A_1227 = arith.constant 80 : index
        %get3A_1228 = tpu.vector_load %arg6[%get3A_1226, %get3A_1227] {strides = array<i32>} : memref<1024x96xf32, #tpu.memory_space<vmem>>, vector<16xf32>,
        %mul3A_1229 = arith.mulf %broadcast_in_dim3A_1205, %get3A_1228 : vector<16xf32>
        %add3A_1230 = arith.addf %add3A_1195, %mul3A_1209 : vector<16xf32>
        %add3A_1231 = arith.addf %add3A_1196, %mul3A_1213 : vector<16xf32>
        %add3A_1232 = arith.addf %add3A_1197, %mul3A_1217 : vector<16xf32>
        %add3A_1233 = arith.addf %add3A_1198, %mul3A_1221 : vector<16xf32>
        %add3A_1234 = arith.addf %add3A_1199, %mul3A_1225 : vector<16xf32>
        %add3A_1235 = arith.addf %add3A_1200, %mul3A_1229 : vector<16xf32>
        %slice3A_1236 = vector.extract_strided_slice %get3A_713 {offsets = [15], sizes = [1], strides = [1]} : vector<16xi32> to vector<1xi32>
        %squeeze3A_1237 = vector.extract %slice3A_1236[0] : i32 from vector<1xi32>
        %slice3A_1238 = vector.extract_strided_slice %get3A_716 {offsets = [15], sizes = [1], strides = [1]} : vector<16xf32> to vector<1xf32>
        %squeeze3A_1239 = vector.extract %slice3A_1238[0] : f32 from vector<1xf32>
        %broadcast_in_dim3A_1240 = vector.broadcast %squeeze3A_1239 : f32 to vector<16xf32>
        %get3A_1241 = arith.index_cast %squeeze3A_1237 : i32 to index
        %get3A_1242 = arith.constant 0 : index
        %get3A_1243 = tpu.vector_load %arg6[%get3A_1241, %get3A_1242] {strides = array<i32>} : memref<1024x96xf32, #tpu.memory_space<vmem>>, vector<16xf32>,
        %mul3A_1244 = arith.mulf %broadcast_in_dim3A_1240, %get3A_1243 : vector<16xf32>
        %get3A_1245 = arith.index_cast %squeeze3A_1237 : i32 to index
        %get3A_1246 = arith.constant 16 : index
        %get3A_1247 = tpu.vector_load %arg6[%get3A_1245, %get3A_1246] {strides = array<i32>} : memref<1024x96xf32, #tpu.memory_space<vmem>>, vector<16xf32>,
        %mul3A_1248 = arith.mulf %broadcast_in_dim3A_1240, %get3A_1247 : vector<16xf32>
        %get3A_1249 = arith.index_cast %squeeze3A_1237 : i32 to index
        %get3A_1250 = arith.constant 32 : index
        %get3A_1251 = tpu.vector_load %arg6[%get3A_1249, %get3A_1250] {strides = array<i32>} : memref<1024x96xf32, #tpu.memory_space<vmem>>, vector<16xf32>,
        %mul3A_1252 = arith.mulf %broadcast_in_dim3A_1240, %get3A_1251 : vector<16xf32>
        %get3A_1253 = arith.index_cast %squeeze3A_1237 : i32 to index
        %get3A_1254 = arith.constant 48 : index
        %get3A_1255 = tpu.vector_load %arg6[%get3A_1253, %get3A_1254] {strides = array<i32>} : memref<1024x96xf32, #tpu.memory_space<vmem>>, vector<16xf32>,
        %mul3A_1256 = arith.mulf %broadcast_in_dim3A_1240, %get3A_1255 : vector<16xf32>
        %get3A_1257 = arith.index_cast %squeeze3A_1237 : i32 to index
        %get3A_1258 = arith.constant 64 : index
        %get3A_1259 = tpu.vector_load %arg6[%get3A_1257, %get3A_1258] {strides = array<i32>} : memref<1024x96xf32, #tpu.memory_space<vmem>>, vector<16xf32>,
        %mul3A_1260 = arith.mulf %broadcast_in_dim3A_1240, %get3A_1259 : vector<16xf32>
        %get3A_1261 = arith.index_cast %squeeze3A_1237 : i32 to index
        %get3A_1262 = arith.constant 80 : index
        %get3A_1263 = tpu.vector_load %arg6[%get3A_1261, %get3A_1262] {strides = array<i32>} : memref<1024x96xf32, #tpu.memory_space<vmem>>, vector<16xf32>,
        %mul3A_1264 = arith.mulf %broadcast_in_dim3A_1240, %get3A_1263 : vector<16xf32>
        %add3A_1265 = arith.addf %add3A_1230, %mul3A_1244 : vector<16xf32>
        %add3A_1266 = arith.addf %add3A_1231, %mul3A_1248 : vector<16xf32>
        %add3A_1267 = arith.addf %add3A_1232, %mul3A_1252 : vector<16xf32>
        %add3A_1268 = arith.addf %add3A_1233, %mul3A_1256 : vector<16xf32>
        %add3A_1269 = arith.addf %add3A_1234, %mul3A_1260 : vector<16xf32>
        %add3A_1270 = arith.addf %add3A_1235, %mul3A_1264 : vector<16xf32>
        %swap3A_1271 = arith.index_cast %rem3A_90 : i32 to index
        %swap3A_1272 = arith.index_cast %add3A_710 : i32 to index
        %swap3A_1273 = arith.constant 0 : index
        %swap3A_1274 = tpu.vector_load %arg9[%swap3A_1271, %swap3A_1272, %swap3A_1273] {strides = array<i32>} : memref<2x64x96xf32, #tpu.memory_space<vmem>>, vector<16xf32>,
        tpu.vector_store %arg9[%swap3A_1271, %swap3A_1272, %swap3A_1273], %add3A_1265 {strides = array<i32>} : memref<2x64x96xf32, #tpu.memory_space<vmem>>, vector<16xf32>,
        %swap3A_1275 = arith.index_cast %rem3A_90 : i32 to index
        %swap3A_1276 = arith.index_cast %add3A_710 : i32 to index
        %swap3A_1277 = arith.constant 16 : index
        %swap3A_1278 = tpu.vector_load %arg9[%swap3A_1275, %swap3A_1276, %swap3A_1277] {strides = array<i32>} : memref<2x64x96xf32, #tpu.memory_space<vmem>>, vector<16xf32>,
        tpu.vector_store %arg9[%swap3A_1275, %swap3A_1276, %swap3A_1277], %add3A_1266 {strides = array<i32>} : memref<2x64x96xf32, #tpu.memory_space<vmem>>, vector<16xf32>,
        %swap3A_1279 = arith.index_cast %rem3A_90 : i32 to index
        %swap3A_1280 = arith.index_cast %add3A_710 : i32 to index
        %swap3A_1281 = arith.constant 32 : index
        %swap3A_1282 = tpu.vector_load %arg9[%swap3A_1279, %swap3A_1280, %swap3A_1281] {strides = array<i32>} : memref<2x64x96xf32, #tpu.memory_space<vmem>>, vector<16xf32>,
        tpu.vector_store %arg9[%swap3A_1279, %swap3A_1280, %swap3A_1281], %add3A_1267 {strides = array<i32>} : memref<2x64x96xf32, #tpu.memory_space<vmem>>, vector<16xf32>,
        %swap3A_1283 = arith.index_cast %rem3A_90 : i32 to index
        %swap3A_1284 = arith.index_cast %add3A_710 : i32 to index
        %swap3A_1285 = arith.constant 48 : index
        %swap3A_1286 = tpu.vector_load %arg9[%swap3A_1283, %swap3A_1284, %swap3A_1285] {strides = array<i32>} : memref<2x64x96xf32, #tpu.memory_space<vmem>>, vector<16xf32>,
        tpu.vector_store %arg9[%swap3A_1283, %swap3A_1284, %swap3A_1285], %add3A_1268 {strides = array<i32>} : memref<2x64x96xf32, #tpu.memory_space<vmem>>, vector<16xf32>,
        %swap3A_1287 = arith.index_cast %rem3A_90 : i32 to index
        %swap3A_1288 = arith.index_cast %add3A_710 : i32 to index
        %swap3A_1289 = arith.constant 64 : index
        %swap3A_1290 = tpu.vector_load %arg9[%swap3A_1287, %swap3A_1288, %swap3A_1289] {strides = array<i32>} : memref<2x64x96xf32, #tpu.memory_space<vmem>>, vector<16xf32>,
        tpu.vector_store %arg9[%swap3A_1287, %swap3A_1288, %swap3A_1289], %add3A_1269 {strides = array<i32>} : memref<2x64x96xf32, #tpu.memory_space<vmem>>, vector<16xf32>,
        %swap3A_1291 = arith.index_cast %rem3A_90 : i32 to index
        %swap3A_1292 = arith.index_cast %add3A_710 : i32 to index
        %swap3A_1293 = arith.constant 80 : index
        %swap3A_1294 = tpu.vector_load %arg9[%swap3A_1291, %swap3A_1292, %swap3A_1293] {strides = array<i32>} : memref<2x64x96xf32, #tpu.memory_space<vmem>>, vector<16xf32>,
        tpu.vector_store %arg9[%swap3A_1291, %swap3A_1292, %swap3A_1293], %add3A_1270 {strides = array<i32>} : memref<2x64x96xf32, #tpu.memory_space<vmem>>, vector<16xf32>,
        %scan3A_1295 = arith.constant 0 : i32
        scf.yield %scan3A_1295 : i32
      }
      %scan3A_99 = arith.constant 32 : i32
      %mul3A_100 = arith.constant 64 : i32
      %mul3A_101 = arith.muli %scan3A_87, %mul3A_100 : i32
      %add3A_102 = arith.addi %mul3A_29, %mul3A_101 : i32
      %dma_start3A_103 = arith.constant 0 : i32
      %dma_start3A_104 = arith.constant 0 : i32
      %dma_start3A_105 = tpu.memref_slice %arg9[%rem3A_90, %dma_start3A_103, %dma_start3A_104] : memref<2x64x96xf32, #tpu.memory_space<vmem>> -> memref<1x64x96xf32, #tpu.memory_space<vmem>>
      %dma_start3A_106 = tpu.memref_squeeze %dma_start3A_105 : memref<1x64x96xf32, #tpu.memory_space<vmem>> -> memref<64x96xf32, #tpu.memory_space<vmem>>
      %dma_start3A_107 = arith.constant 0 : i32
      %dma_start3A_108 = tpu.memref_slice %arg5[%arg1, %add3A_102, %dma_start3A_107] : memref<16x1024x96xf32, #tpu.memory_space<hbm>> -> memref<1x64x96xf32, #tpu.memory_space<hbm>>
      %dma_start3A_109 = tpu.memref_squeeze %dma_start3A_108 : memref<1x64x96xf32, #tpu.memory_space<hbm>> -> memref<64x96xf32, #tpu.memory_space<hbm>>
      %dma_start3A_110 = arith.constant 0 : i32
      %dma_start3A_111 = tpu.memref_slice %arg5[%arg1, %add3A_102, %dma_start3A_110] : memref<16x1024x96xf32, #tpu.memory_space<hbm>> -> memref<1x64x96xf32, #tpu.memory_space<hbm>>
      %dma_start3A_112 = tpu.memref_squeeze %dma_start3A_111 : memref<1x64x96xf32, #tpu.memory_space<hbm>> -> memref<64x96xf32, #tpu.memory_space<hbm>>
      %dma_start3A_113 = arith.constant 0 : i32
      %dma_start3A_114 = arith.constant 0 : i32
      %dma_start3A_115 = tpu.memref_slice %arg9[%rem3A_90, %dma_start3A_113, %dma_start3A_114] : memref<2x64x96xf32, #tpu.memory_space<vmem>> -> memref<1x64x96xf32, #tpu.memory_space<vmem>>
      %dma_start3A_116 = tpu.memref_squeeze %dma_start3A_115 : memref<1x64x96xf32, #tpu.memory_space<vmem>> -> memref<64x96xf32, #tpu.memory_space<vmem>>
      tpu.enqueue_dma source(%dma_start3A_116 : memref<64x96xf32, #tpu.memory_space<vmem>>) target(%dma_start3A_112 : memref<64x96xf32, #tpu.memory_space<hbm>>) target_semaphore(%arg11 : memref<!tpu.dma_semaphore, #tpu.memory_space<semaphore_mem>>)
      %scan3A_117 = arith.constant 0 : i32
      scf.yield %scan3A_117 : i32
    }
    %scan3A_56 = arith.constant 8 : i32
    %dma_wait3A_57 = arith.constant 0 : i32
    %dma_wait3A_58 = arith.constant 0 : i32
    %dma_wait3A_59 = arith.constant 0 : i32
    %dma_wait3A_60 = tpu.memref_slice %arg9[%dma_wait3A_57, %dma_wait3A_58, %dma_wait3A_59] : memref<2x64x96xf32, #tpu.memory_space<vmem>> -> memref<1x64x96xf32, #tpu.memory_space<vmem>>
    %dma_wait3A_61 = tpu.memref_squeeze %dma_wait3A_60 : memref<1x64x96xf32, #tpu.memory_space<vmem>> -> memref<64x96xf32, #tpu.memory_space<vmem>>
    %dma_wait3A_62 = arith.constant 0 : i32
    %dma_wait3A_63 = tpu.memref_slice %arg5[%arg1, %mul3A_29, %dma_wait3A_62] : memref<16x1024x96xf32, #tpu.memory_space<hbm>> -> memref<1x64x96xf32, #tpu.memory_space<hbm>>
    %dma_wait3A_64 = tpu.memref_squeeze %dma_wait3A_63 : memref<1x64x96xf32, #tpu.memory_space<hbm>> -> memref<64x96xf32, #tpu.memory_space<hbm>>
    %dma_wait3A_65 = arith.constant 0 : i32
    %dma_wait3A_66 = tpu.memref_slice %arg5[%arg1, %mul3A_29, %dma_wait3A_65] : memref<16x1024x96xf32, #tpu.memory_space<hbm>> -> memref<1x64x96xf32, #tpu.memory_space<hbm>>
    %dma_wait3A_67 = tpu.memref_squeeze %dma_wait3A_66 : memref<1x64x96xf32, #tpu.memory_space<hbm>> -> memref<64x96xf32, #tpu.memory_space<hbm>>
    %dma_wait3A_68 = arith.constant 0 : i32
    %dma_wait3A_69 = arith.constant 0 : i32
    %dma_wait3A_70 = tpu.memref_slice %arg9[%dma_wait3A_57, %dma_wait3A_68, %dma_wait3A_69] : memref<2x64x96xf32, #tpu.memory_space<vmem>> -> memref<1x64x96xf32, #tpu.memory_space<vmem>>
    %dma_wait3A_71 = tpu.memref_squeeze %dma_wait3A_70 : memref<1x64x96xf32, #tpu.memory_space<vmem>> -> memref<64x96xf32, #tpu.memory_space<vmem>>
    tpu.wait_dma2 semaphore(%arg11 : memref<!tpu.dma_semaphore, #tpu.memory_space<semaphore_mem>>) src(%dma_wait3A_71 : memref<64x96xf32, #tpu.memory_space<vmem>>) dst(%dma_wait3A_67 : memref<64x96xf32, #tpu.memory_space<hbm>>)
    %dma_wait3A_72 = arith.constant 1 : i32
    %dma_wait3A_73 = arith.constant 0 : i32
    %dma_wait3A_74 = arith.constant 0 : i32
    %dma_wait3A_75 = tpu.memref_slice %arg9[%dma_wait3A_72, %dma_wait3A_73, %dma_wait3A_74] : memref<2x64x96xf32, #tpu.memory_space<vmem>> -> memref<1x64x96xf32, #tpu.memory_space<vmem>>
    %dma_wait3A_76 = tpu.memref_squeeze %dma_wait3A_75 : memref<1x64x96xf32, #tpu.memory_space<vmem>> -> memref<64x96xf32, #tpu.memory_space<vmem>>
    %dma_wait3A_77 = arith.constant 0 : i32
    %dma_wait3A_78 = tpu.memref_slice %arg5[%arg1, %mul3A_29, %dma_wait3A_77] : memref<16x1024x96xf32, #tpu.memory_space<hbm>> -> memref<1x64x96xf32, #tpu.memory_space<hbm>>
    %dma_wait3A_79 = tpu.memref_squeeze %dma_wait3A_78 : memref<1x64x96xf32, #tpu.memory_space<hbm>> -> memref<64x96xf32, #tpu.memory_space<hbm>>
    %dma_wait3A_80 = arith.constant 0 : i32
    %dma_wait3A_81 = tpu.memref_slice %arg5[%arg1, %mul3A_29, %dma_wait3A_80] : memref<16x1024x96xf32, #tpu.memory_space<hbm>> -> memref<1x64x96xf32, #tpu.memory_space<hbm>>
    %dma_wait3A_82 = tpu.memref_squeeze %dma_wait3A_81 : memref<1x64x96xf32, #tpu.memory_space<hbm>> -> memref<64x96xf32, #tpu.memory_space<hbm>>
    %dma_wait3A_83 = arith.constant 0 : i32
    %dma_wait3A_84 = arith.constant 0 : i32
    %dma_wait3A_85 = tpu.memref_slice %arg9[%dma_wait3A_72, %dma_wait3A_83, %dma_wait3A_84] : memref<2x64x96xf32, #tpu.memory_space<vmem>> -> memref<1x64x96xf32, #tpu.memory_space<vmem>>
    %dma_wait3A_86 = tpu.memref_squeeze %dma_wait3A_85 : memref<1x64x96xf32, #tpu.memory_space<vmem>> -> memref<64x96xf32, #tpu.memory_space<vmem>>
    tpu.wait_dma2 semaphore(%arg11 : memref<!tpu.dma_semaphore, #tpu.memory_space<semaphore_mem>>) src(%dma_wait3A_86 : memref<64x96xf32, #tpu.memory_space<vmem>>) dst(%dma_wait3A_82 : memref<64x96xf32, #tpu.memory_space<hbm>>)
    return
  }
}

module attributes {stable_mosaic.version = 14 : i64} {
  func.func @_proj_kernel(%arg0: i32, %arg1: memref<256x768xf32, #tpu.memory_space<vmem>>, %arg2: memref<256x768xf32, #tpu.memory_space<vmem>>, %arg3: memref<256x2xf32, #tpu.memory_space<vmem>>, %arg4: memref<768x768xf32, #tpu.memory_space<vmem>>, %arg5: memref<768x64xf32, #tpu.memory_space<vmem>>, %arg6: memref<768x32xf32, #tpu.memory_space<vmem>>, %arg7: memref<1x768xf32, #tpu.memory_space<vmem>>, %arg8: memref<1x64xf32, #tpu.memory_space<vmem>>, %arg9: memref<1x32xf32, #tpu.memory_space<vmem>>, %arg10: memref<1536x128xf32, #tpu.memory_space<vmem>>, %arg11: memref<256x128xi32, #tpu.memory_space<vmem>>, %arg12: memref<256x128xf32, #tpu.memory_space<vmem>>) attributes {dimension_semantics = [#tpu.dimension_semantics<arbitrary>], iteration_bounds = array<i64: 8>, scalar_prefetch = 0 : i64, scratch_operands = 0 : i64, tpu.core_type = #tpu.core_type<tc>, window_params = [{transform_indices = @transform_0, window_bounds = array<i64: 256, 768>}, {transform_indices = @transform_1, window_bounds = array<i64: 256, 768>}, {transform_indices = @transform_2, window_bounds = array<i64: 256, 2>}, {pipeline_mode = #tpu.pipeline_mode<synchronous>, transform_indices = @transform_3, window_bounds = array<i64: 768, 768>}, {pipeline_mode = #tpu.pipeline_mode<synchronous>, transform_indices = @transform_4, window_bounds = array<i64: 768, 64>}, {pipeline_mode = #tpu.pipeline_mode<synchronous>, transform_indices = @transform_5, window_bounds = array<i64: 768, 32>}, {pipeline_mode = #tpu.pipeline_mode<synchronous>, transform_indices = @transform_6, window_bounds = array<i64: 1, 768>}, {pipeline_mode = #tpu.pipeline_mode<synchronous>, transform_indices = @transform_7, window_bounds = array<i64: 1, 64>}, {pipeline_mode = #tpu.pipeline_mode<synchronous>, transform_indices = @transform_8, window_bounds = array<i64: 1, 32>}, {transform_indices = @transform_9, window_bounds = array<i64: 1536, 128>}, {transform_indices = @transform_10, window_bounds = array<i64: 256, 128>}, {transform_indices = @transform_11, window_bounds = array<i64: 256, 128>}]} {
    %get3A = arith.constant 0 : index
    %get3A_0 = arith.constant 0 : index
    %get3A_1 = vector.load %arg2[%get3A, %get3A_0] : memref<256x768xf32, #tpu.memory_space<vmem>>, vector<256x768xf32>
    %get3A_2 = arith.constant 0 : index
    %get3A_3 = arith.constant 0 : index
    %get3A_4 = vector.load %arg4[%get3A_2, %get3A_3] : memref<768x768xf32, #tpu.memory_space<vmem>>, vector<768x768xf32>
    %dot_general3A = arith.constant dense<0.000000e+00> : vector<256x768xf32>
    %dot_general3A_5 = tpu.matmul %get3A_1, %get3A_4, %dot_general3A {dimension_numbers = #tpu.dot_dimension_numbers<[1], [0], [0], [1], [0, 0, 1, 1], [], []>, transpose_lhs_hint = false} : vector<256x768xf32>, vector<768x768xf32>, vector<256x768xf32> -> vector<256x768xf32>
    %get3A_6 = arith.constant 0 : index
    %get3A_7 = arith.constant 0 : index
    %get3A_8 = vector.load %arg7[%get3A_6, %get3A_7] : memref<1x768xf32, #tpu.memory_space<vmem>>, vector<1x768xf32>
    %add3A = vector.broadcast %get3A_8 : vector<1x768xf32> to vector<256x768xf32>
    %add3A_9 = arith.addf %dot_general3A_5, %add3A : vector<256x768xf32>
    %reshape3A = vector.shape_cast %add3A_9 : vector<256x768xf32> to vector<1536x128xf32>
    %swap3A = arith.constant 0 : index
    %swap3A_10 = arith.constant 0 : index
    %swap3A_11 = vector.load %arg10[%swap3A, %swap3A_10] : memref<1536x128xf32, #tpu.memory_space<vmem>>, vector<1536x128xf32>
    tpu.vector_store %arg10[%swap3A, %swap3A_10], %reshape3A {strides = array<i32>} : memref<1536x128xf32, #tpu.memory_space<vmem>>, vector<1536x128xf32>,
    %get3A_12 = arith.constant 0 : index
    %get3A_13 = arith.constant 0 : index
    %get3A_14 = vector.load %arg1[%get3A_12, %get3A_13] : memref<256x768xf32, #tpu.memory_space<vmem>>, vector<256x768xf32>
    %get3A_15 = arith.constant 0 : index
    %get3A_16 = arith.constant 0 : index
    %get3A_17 = vector.load %arg5[%get3A_15, %get3A_16] : memref<768x64xf32, #tpu.memory_space<vmem>>, vector<768x64xf32>
    %dot_general3A_18 = arith.constant dense<0.000000e+00> : vector<256x64xf32>
    %dot_general3A_19 = tpu.matmul %get3A_14, %get3A_17, %dot_general3A_18 {dimension_numbers = #tpu.dot_dimension_numbers<[1], [0], [0], [1], [0, 0, 1, 1], [], []>, transpose_lhs_hint = false} : vector<256x768xf32>, vector<768x64xf32>, vector<256x64xf32> -> vector<256x64xf32>
    %get3A_20 = arith.constant 0 : index
    %get3A_21 = arith.constant 0 : index
    %get3A_22 = vector.load %arg8[%get3A_20, %get3A_21] : memref<1x64xf32, #tpu.memory_space<vmem>>, vector<1x64xf32>
    %add3A_23 = vector.broadcast %get3A_22 : vector<1x64xf32> to vector<256x64xf32>
    %add3A_24 = arith.addf %dot_general3A_19, %add3A_23 : vector<256x64xf32>
    %get3A_25 = arith.constant 0 : index
    %get3A_26 = arith.constant 0 : index
    %get3A_27 = vector.load %arg1[%get3A_25, %get3A_26] : memref<256x768xf32, #tpu.memory_space<vmem>>, vector<256x768xf32>
    %get3A_28 = arith.constant 0 : index
    %get3A_29 = arith.constant 0 : index
    %get3A_30 = vector.load %arg6[%get3A_28, %get3A_29] : memref<768x32xf32, #tpu.memory_space<vmem>>, vector<768x32xf32>
    %dot_general3A_31 = arith.constant dense<0.000000e+00> : vector<256x32xf32>
    %dot_general3A_32 = tpu.matmul %get3A_27, %get3A_30, %dot_general3A_31 {dimension_numbers = #tpu.dot_dimension_numbers<[1], [0], [0], [1], [0, 0, 1, 1], [], []>, transpose_lhs_hint = false} : vector<256x768xf32>, vector<768x32xf32>, vector<256x32xf32> -> vector<256x32xf32>
    %get3A_33 = arith.constant 0 : index
    %get3A_34 = arith.constant 0 : index
    %get3A_35 = vector.load %arg9[%get3A_33, %get3A_34] : memref<1x32xf32, #tpu.memory_space<vmem>>, vector<1x32xf32>
    %add3A_36 = vector.broadcast %get3A_35 : vector<1x32xf32> to vector<256x32xf32>
    %add3A_37 = arith.addf %dot_general3A_32, %add3A_36 : vector<256x32xf32>
    %reduce_max3A = arith.constant dense<0xFF800000> : vector<256xf32>
    %reduce_max3A_38 = vector.multi_reduction <maximumf>, %add3A_37, %reduce_max3A [1] : vector<256x32xf32> to vector<256xf32>
    %broadcast_in_dim3A = vector.shape_cast %reduce_max3A_38 : vector<256xf32> to vector<256x1xf32>
    %sub3A = vector.broadcast %broadcast_in_dim3A : vector<256x1xf32> to vector<256x32xf32>
    %sub3A_39 = arith.subf %add3A_37, %sub3A : vector<256x32xf32>
    %exp3A = math.exp %sub3A_39 : vector<256x32xf32>
    %iota3A = tpu.iota {dimensions = array<i32: 0>} : vector<32x32xi32>
    %jit3A = arith.constant 4 : i32
    %div3A = vector.broadcast %jit3A : i32 to vector<32x32xi32>
    %div3A_40 = arith.divsi %iota3A, %div3A : vector<32x32xi32>
    %sign3A = arith.constant 0 : i32
    %sign3A_41 = vector.broadcast %sign3A : i32 to vector<32x32xi32>
    %sign3A_42 = arith.cmpi sgt, %iota3A, %sign3A_41 : vector<32x32xi32>
    %sign3A_43 = arith.extui %sign3A_42 : vector<32x32xi1> to vector<32x32xi32>
    %sign3A_44 = arith.constant 0 : i32
    %sign3A_45 = vector.broadcast %sign3A_44 : i32 to vector<32x32xi32>
    %sign3A_46 = arith.cmpi slt, %iota3A, %sign3A_45 : vector<32x32xi32>
    %sign3A_47 = arith.extui %sign3A_46 : vector<32x32xi1> to vector<32x32xi32>
    %sign3A_48 = arith.subi %sign3A_43, %sign3A_47 : vector<32x32xi32>
    %sign3A_49 = arith.constant 0 : i32
    %sign3A_50 = arith.cmpi sgt, %jit3A, %sign3A_49 : i32
    %sign3A_51 = arith.extui %sign3A_50 : i1 to i32
    %sign3A_52 = arith.constant 0 : i32
    %sign3A_53 = arith.cmpi slt, %jit3A, %sign3A_52 : i32
    %sign3A_54 = arith.extui %sign3A_53 : i1 to i32
    %sign3A_55 = arith.subi %sign3A_51, %sign3A_54 : i32
    %ne3A = vector.broadcast %sign3A_55 : i32 to vector<32x32xi32>
    %ne3A_56 = arith.cmpi ne, %sign3A_48, %ne3A : vector<32x32xi32>
    %rem3A = vector.broadcast %jit3A : i32 to vector<32x32xi32>
    %rem3A_57 = arith.remsi %iota3A, %rem3A : vector<32x32xi32>
    %ne3A_58 = arith.constant 0 : i32
    %ne3A_59 = vector.broadcast %ne3A_58 : i32 to vector<32x32xi32>
    %ne3A_60 = arith.cmpi ne, %rem3A_57, %ne3A_59 : vector<32x32xi32>
    %and3A = arith.andi %ne3A_56, %ne3A_60 : vector<32x32xi1>
    %sub3A_61 = arith.constant 1 : i32
    %sub3A_62 = vector.broadcast %sub3A_61 : i32 to vector<32x32xi32>
    %sub3A_63 = arith.subi %div3A_40, %sub3A_62 : vector<32x32xi32>
    %select_n3A = arith.select %and3A, %sub3A_63, %div3A_40 : vector<32x32xi1>, vector<32x32xi32>
    %iota3A_64 = tpu.iota {dimensions = array<i32: 1>} : vector<32x32xi32>
    %jit3A_65 = arith.constant 4 : i32
    %div3A_66 = vector.broadcast %jit3A_65 : i32 to vector<32x32xi32>
    %div3A_67 = arith.divsi %iota3A_64, %div3A_66 : vector<32x32xi32>
    %sign3A_68 = arith.constant 0 : i32
    %sign3A_69 = vector.broadcast %sign3A_68 : i32 to vector<32x32xi32>
    %sign3A_70 = arith.cmpi sgt, %iota3A_64, %sign3A_69 : vector<32x32xi32>
    %sign3A_71 = arith.extui %sign3A_70 : vector<32x32xi1> to vector<32x32xi32>
    %sign3A_72 = arith.constant 0 : i32
    %sign3A_73 = vector.broadcast %sign3A_72 : i32 to vector<32x32xi32>
    %sign3A_74 = arith.cmpi slt, %iota3A_64, %sign3A_73 : vector<32x32xi32>
    %sign3A_75 = arith.extui %sign3A_74 : vector<32x32xi1> to vector<32x32xi32>
    %sign3A_76 = arith.subi %sign3A_71, %sign3A_75 : vector<32x32xi32>
    %sign3A_77 = arith.constant 0 : i32
    %sign3A_78 = arith.cmpi sgt, %jit3A_65, %sign3A_77 : i32
    %sign3A_79 = arith.extui %sign3A_78 : i1 to i32
    %sign3A_80 = arith.constant 0 : i32
    %sign3A_81 = arith.cmpi slt, %jit3A_65, %sign3A_80 : i32
    %sign3A_82 = arith.extui %sign3A_81 : i1 to i32
    %sign3A_83 = arith.subi %sign3A_79, %sign3A_82 : i32
    %ne3A_84 = vector.broadcast %sign3A_83 : i32 to vector<32x32xi32>
    %ne3A_85 = arith.cmpi ne, %sign3A_76, %ne3A_84 : vector<32x32xi32>
    %rem3A_86 = vector.broadcast %jit3A_65 : i32 to vector<32x32xi32>
    %rem3A_87 = arith.remsi %iota3A_64, %rem3A_86 : vector<32x32xi32>
    %ne3A_88 = arith.constant 0 : i32
    %ne3A_89 = vector.broadcast %ne3A_88 : i32 to vector<32x32xi32>
    %ne3A_90 = arith.cmpi ne, %rem3A_87, %ne3A_89 : vector<32x32xi32>
    %and3A_91 = arith.andi %ne3A_85, %ne3A_90 : vector<32x32xi1>
    %sub3A_92 = arith.constant 1 : i32
    %sub3A_93 = vector.broadcast %sub3A_92 : i32 to vector<32x32xi32>
    %sub3A_94 = arith.subi %div3A_67, %sub3A_93 : vector<32x32xi32>
    %select_n3A_95 = arith.select %and3A_91, %sub3A_94, %div3A_67 : vector<32x32xi1>, vector<32x32xi32>
    %eq3A = arith.cmpi eq, %select_n3A, %select_n3A_95 : vector<32x32xi32>
    %convert_element_type3A = arith.extui %eq3A : vector<32x32xi1> to vector<32x32xi32>
    %convert_element_type3A_96 = arith.sitofp %convert_element_type3A : vector<32x32xi32> to vector<32x32xf32>
    %dot_general3A_97 = arith.constant dense<0.000000e+00> : vector<256x32xf32>
    %dot_general3A_98 = tpu.matmul %exp3A, %convert_element_type3A_96, %dot_general3A_97 {dimension_numbers = #tpu.dot_dimension_numbers<[1], [0], [0], [1], [0, 0, 1, 1], [], []>, transpose_lhs_hint = false} : vector<256x32xf32>, vector<32x32xf32>, vector<256x32xf32> -> vector<256x32xf32>
    %div3A_99 = arith.divf %exp3A, %dot_general3A_98 : vector<256x32xf32>
    %slice3A = vector.extract_strided_slice %add3A_24 {offsets = [0, 0], sizes = [256, 32], strides = [1, 1]} : vector<256x64xf32> to vector<256x32xf32>
    %slice3A_100 = vector.extract_strided_slice %add3A_24 {offsets = [0, 32], sizes = [256, 32], strides = [1, 1]} : vector<256x64xf32> to vector<256x32xf32>
    %get3A_101 = arith.constant 0 : index
    %get3A_102 = arith.constant 0 : index
    %get3A_103 = vector.load %arg3[%get3A_101, %get3A_102] : memref<256x2xf32, #tpu.memory_space<vmem>>, vector<256x1xf32>
    %get3A_104 = arith.constant 0 : index
    %get3A_105 = arith.constant 1 : index
    %get3A_106 = vector.load %arg3[%get3A_104, %get3A_105] : memref<256x2xf32, #tpu.memory_space<vmem>>, vector<256x1xf32>
    %mul3A = arith.constant 3.100000e+01 : f32
    %mul3A_107 = vector.broadcast %mul3A : f32 to vector<256x1xf32>
    %mul3A_108 = arith.mulf %get3A_103, %mul3A_107 : vector<256x1xf32>
    %add3A_109 = vector.broadcast %mul3A_108 : vector<256x1xf32> to vector<256x32xf32>
    %add3A_110 = arith.addf %add3A_109, %slice3A : vector<256x32xf32>
    %mul3A_111 = arith.constant 3.100000e+01 : f32
    %mul3A_112 = vector.broadcast %mul3A_111 : f32 to vector<256x1xf32>
    %mul3A_113 = arith.mulf %get3A_106, %mul3A_112 : vector<256x1xf32>
    %add3A_114 = vector.broadcast %mul3A_113 : vector<256x1xf32> to vector<256x32xf32>
    %add3A_115 = arith.addf %add3A_114, %slice3A_100 : vector<256x32xf32>
    %mul3A_116 = arith.constant 2.000000e+00 : f32
    %mul3A_117 = vector.broadcast %mul3A_116 : f32 to vector<256x32xf32>
    %mul3A_118 = arith.mulf %mul3A_117, %add3A_110 : vector<256x32xf32>
    %div3A_119 = arith.constant 3.100000e+01 : f32
    %div3A_120 = vector.broadcast %div3A_119 : f32 to vector<256x32xf32>
    %div3A_121 = arith.divf %mul3A_118, %div3A_120 : vector<256x32xf32>
    %mul3A_122 = arith.constant 3.200000e+01 : f32
    %mul3A_123 = vector.broadcast %mul3A_122 : f32 to vector<256x32xf32>
    %mul3A_124 = arith.mulf %div3A_121, %mul3A_123 : vector<256x32xf32>
    %sub3A_125 = arith.constant 1.000000e+00 : f32
    %sub3A_126 = vector.broadcast %sub3A_125 : f32 to vector<256x32xf32>
    %sub3A_127 = arith.subf %mul3A_124, %sub3A_126 : vector<256x32xf32>
    %mul3A_128 = arith.constant 5.000000e-01 : f32
    %mul3A_129 = vector.broadcast %mul3A_128 : f32 to vector<256x32xf32>
    %mul3A_130 = arith.mulf %sub3A_127, %mul3A_129 : vector<256x32xf32>
    %mul3A_131 = arith.constant 2.000000e+00 : f32
    %mul3A_132 = vector.broadcast %mul3A_131 : f32 to vector<256x32xf32>
    %mul3A_133 = arith.mulf %mul3A_132, %add3A_115 : vector<256x32xf32>
    %div3A_134 = arith.constant 3.100000e+01 : f32
    %div3A_135 = vector.broadcast %div3A_134 : f32 to vector<256x32xf32>
    %div3A_136 = arith.divf %mul3A_133, %div3A_135 : vector<256x32xf32>
    %mul3A_137 = arith.constant 3.200000e+01 : f32
    %mul3A_138 = vector.broadcast %mul3A_137 : f32 to vector<256x32xf32>
    %mul3A_139 = arith.mulf %div3A_136, %mul3A_138 : vector<256x32xf32>
    %sub3A_140 = arith.constant 1.000000e+00 : f32
    %sub3A_141 = vector.broadcast %sub3A_140 : f32 to vector<256x32xf32>
    %sub3A_142 = arith.subf %mul3A_139, %sub3A_141 : vector<256x32xf32>
    %mul3A_143 = arith.constant 5.000000e-01 : f32
    %mul3A_144 = vector.broadcast %mul3A_143 : f32 to vector<256x32xf32>
    %mul3A_145 = arith.mulf %sub3A_142, %mul3A_144 : vector<256x32xf32>
    %floor3A = math.floor %mul3A_130 : vector<256x32xf32>
    %floor3A_146 = math.floor %mul3A_145 : vector<256x32xf32>
    %sub3A_147 = arith.subf %mul3A_130, %floor3A : vector<256x32xf32>
    %sub3A_148 = arith.constant 1.000000e+00 : f32
    %sub3A_149 = vector.broadcast %sub3A_148 : f32 to vector<256x32xf32>
    %sub3A_150 = arith.subf %sub3A_149, %sub3A_147 : vector<256x32xf32>
    %sub3A_151 = arith.subf %mul3A_145, %floor3A_146 : vector<256x32xf32>
    %sub3A_152 = arith.constant 1.000000e+00 : f32
    %sub3A_153 = vector.broadcast %sub3A_152 : f32 to vector<256x32xf32>
    %sub3A_154 = arith.subf %sub3A_153, %sub3A_151 : vector<256x32xf32>
    %ge3A = arith.constant 0.000000e+00 : f32
    %ge3A_155 = vector.broadcast %ge3A : f32 to vector<256x32xf32>
    %ge3A_156 = arith.cmpf oge, %floor3A, %ge3A_155 : vector<256x32xf32>
    %le3A = arith.constant 3.100000e+01 : f32
    %le3A_157 = vector.broadcast %le3A : f32 to vector<256x32xf32>
    %le3A_158 = arith.cmpf ole, %floor3A, %le3A_157 : vector<256x32xf32>
    %and3A_159 = arith.andi %ge3A_156, %le3A_158 : vector<256x32xi1>
    %convert_element_type3A_160 = arith.extui %and3A_159 : vector<256x32xi1> to vector<256x32xi32>
    %convert_element_type3A_161 = arith.sitofp %convert_element_type3A_160 : vector<256x32xi32> to vector<256x32xf32>
    %add3A_162 = arith.constant 1.000000e+00 : f32
    %add3A_163 = vector.broadcast %add3A_162 : f32 to vector<256x32xf32>
    %add3A_164 = arith.addf %floor3A, %add3A_163 : vector<256x32xf32>
    %ge3A_165 = arith.constant 0.000000e+00 : f32
    %ge3A_166 = vector.broadcast %ge3A_165 : f32 to vector<256x32xf32>
    %ge3A_167 = arith.cmpf oge, %add3A_164, %ge3A_166 : vector<256x32xf32>
    %add3A_168 = arith.constant 1.000000e+00 : f32
    %add3A_169 = vector.broadcast %add3A_168 : f32 to vector<256x32xf32>
    %add3A_170 = arith.addf %floor3A, %add3A_169 : vector<256x32xf32>
    %le3A_171 = arith.constant 3.100000e+01 : f32
    %le3A_172 = vector.broadcast %le3A_171 : f32 to vector<256x32xf32>
    %le3A_173 = arith.cmpf ole, %add3A_170, %le3A_172 : vector<256x32xf32>
    %and3A_174 = arith.andi %ge3A_167, %le3A_173 : vector<256x32xi1>
    %convert_element_type3A_175 = arith.extui %and3A_174 : vector<256x32xi1> to vector<256x32xi32>
    %convert_element_type3A_176 = arith.sitofp %convert_element_type3A_175 : vector<256x32xi32> to vector<256x32xf32>
    %ge3A_177 = arith.constant 0.000000e+00 : f32
    %ge3A_178 = vector.broadcast %ge3A_177 : f32 to vector<256x32xf32>
    %ge3A_179 = arith.cmpf oge, %floor3A_146, %ge3A_178 : vector<256x32xf32>
    %le3A_180 = arith.constant 3.100000e+01 : f32
    %le3A_181 = vector.broadcast %le3A_180 : f32 to vector<256x32xf32>
    %le3A_182 = arith.cmpf ole, %floor3A_146, %le3A_181 : vector<256x32xf32>
    %and3A_183 = arith.andi %ge3A_179, %le3A_182 : vector<256x32xi1>
    %convert_element_type3A_184 = arith.extui %and3A_183 : vector<256x32xi1> to vector<256x32xi32>
    %convert_element_type3A_185 = arith.sitofp %convert_element_type3A_184 : vector<256x32xi32> to vector<256x32xf32>
    %add3A_186 = arith.constant 1.000000e+00 : f32
    %add3A_187 = vector.broadcast %add3A_186 : f32 to vector<256x32xf32>
    %add3A_188 = arith.addf %floor3A_146, %add3A_187 : vector<256x32xf32>
    %ge3A_189 = arith.constant 0.000000e+00 : f32
    %ge3A_190 = vector.broadcast %ge3A_189 : f32 to vector<256x32xf32>
    %ge3A_191 = arith.cmpf oge, %add3A_188, %ge3A_190 : vector<256x32xf32>
    %add3A_192 = arith.constant 1.000000e+00 : f32
    %add3A_193 = vector.broadcast %add3A_192 : f32 to vector<256x32xf32>
    %add3A_194 = arith.addf %floor3A_146, %add3A_193 : vector<256x32xf32>
    %le3A_195 = arith.constant 3.100000e+01 : f32
    %le3A_196 = vector.broadcast %le3A_195 : f32 to vector<256x32xf32>
    %le3A_197 = arith.cmpf ole, %add3A_194, %le3A_196 : vector<256x32xf32>
    %and3A_198 = arith.andi %ge3A_191, %le3A_197 : vector<256x32xi1>
    %convert_element_type3A_199 = arith.extui %and3A_198 : vector<256x32xi1> to vector<256x32xi32>
    %convert_element_type3A_200 = arith.sitofp %convert_element_type3A_199 : vector<256x32xi32> to vector<256x32xf32>
    %jit3A_201 = arith.constant 0.000000e+00 : f32
    %jit3A_202 = arith.constant 3.100000e+01 : f32
    %max3A = vector.broadcast %jit3A_201 : f32 to vector<256x32xf32>
    %max3A_203 = arith.maximumf %max3A, %floor3A : vector<256x32xf32>
    %min3A = vector.broadcast %jit3A_202 : f32 to vector<256x32xf32>
    %min3A_204 = arith.minimumf %min3A, %max3A_203 : vector<256x32xf32>
    %add3A_205 = arith.constant 1.000000e+00 : f32
    %add3A_206 = vector.broadcast %add3A_205 : f32 to vector<256x32xf32>
    %add3A_207 = arith.addf %floor3A, %add3A_206 : vector<256x32xf32>
    %jit3A_208 = arith.constant 0.000000e+00 : f32
    %jit3A_209 = arith.constant 3.100000e+01 : f32
    %max3A_210 = vector.broadcast %jit3A_208 : f32 to vector<256x32xf32>
    %max3A_211 = arith.maximumf %max3A_210, %add3A_207 : vector<256x32xf32>
    %min3A_212 = vector.broadcast %jit3A_209 : f32 to vector<256x32xf32>
    %min3A_213 = arith.minimumf %min3A_212, %max3A_211 : vector<256x32xf32>
    %jit3A_214 = arith.constant 0.000000e+00 : f32
    %jit3A_215 = arith.constant 3.100000e+01 : f32
    %max3A_216 = vector.broadcast %jit3A_214 : f32 to vector<256x32xf32>
    %max3A_217 = arith.maximumf %max3A_216, %floor3A_146 : vector<256x32xf32>
    %min3A_218 = vector.broadcast %jit3A_215 : f32 to vector<256x32xf32>
    %min3A_219 = arith.minimumf %min3A_218, %max3A_217 : vector<256x32xf32>
    %add3A_220 = arith.constant 1.000000e+00 : f32
    %add3A_221 = vector.broadcast %add3A_220 : f32 to vector<256x32xf32>
    %add3A_222 = arith.addf %floor3A_146, %add3A_221 : vector<256x32xf32>
    %jit3A_223 = arith.constant 0.000000e+00 : f32
    %jit3A_224 = arith.constant 3.100000e+01 : f32
    %max3A_225 = vector.broadcast %jit3A_223 : f32 to vector<256x32xf32>
    %max3A_226 = arith.maximumf %max3A_225, %add3A_222 : vector<256x32xf32>
    %min3A_227 = vector.broadcast %jit3A_224 : f32 to vector<256x32xf32>
    %min3A_228 = arith.minimumf %min3A_227, %max3A_226 : vector<256x32xf32>
    %concatenate3A = tpu.concatenate %min3A_204, %min3A_213, %min3A_204, %min3A_213 in 1 : vector<256x32xf32>, vector<256x32xf32>, vector<256x32xf32>, vector<256x32xf32> -> vector<256x128xf32>
    %concatenate3A_229 = tpu.concatenate %min3A_219, %min3A_219, %min3A_228, %min3A_228 in 1 : vector<256x32xf32>, vector<256x32xf32>, vector<256x32xf32>, vector<256x32xf32> -> vector<256x128xf32>
    %mul3A_230 = arith.mulf %div3A_99, %sub3A_150 : vector<256x32xf32>
    %mul3A_231 = arith.mulf %mul3A_230, %sub3A_154 : vector<256x32xf32>
    %mul3A_232 = arith.mulf %mul3A_231, %convert_element_type3A_161 : vector<256x32xf32>
    %mul3A_233 = arith.mulf %mul3A_232, %convert_element_type3A_185 : vector<256x32xf32>
    %mul3A_234 = arith.mulf %div3A_99, %sub3A_147 : vector<256x32xf32>
    %mul3A_235 = arith.mulf %mul3A_234, %sub3A_154 : vector<256x32xf32>
    %mul3A_236 = arith.mulf %mul3A_235, %convert_element_type3A_176 : vector<256x32xf32>
    %mul3A_237 = arith.mulf %mul3A_236, %convert_element_type3A_185 : vector<256x32xf32>
    %mul3A_238 = arith.mulf %div3A_99, %sub3A_150 : vector<256x32xf32>
    %mul3A_239 = arith.mulf %mul3A_238, %sub3A_151 : vector<256x32xf32>
    %mul3A_240 = arith.mulf %mul3A_239, %convert_element_type3A_161 : vector<256x32xf32>
    %mul3A_241 = arith.mulf %mul3A_240, %convert_element_type3A_200 : vector<256x32xf32>
    %mul3A_242 = arith.mulf %div3A_99, %sub3A_147 : vector<256x32xf32>
    %mul3A_243 = arith.mulf %mul3A_242, %sub3A_151 : vector<256x32xf32>
    %mul3A_244 = arith.mulf %mul3A_243, %convert_element_type3A_176 : vector<256x32xf32>
    %mul3A_245 = arith.mulf %mul3A_244, %convert_element_type3A_200 : vector<256x32xf32>
    %concatenate3A_246 = tpu.concatenate %mul3A_233, %mul3A_237, %mul3A_241, %mul3A_245 in 1 : vector<256x32xf32>, vector<256x32xf32>, vector<256x32xf32>, vector<256x32xf32> -> vector<256x128xf32>
    %iota3A_247 = tpu.iota {dimensions = array<i32: 0>} : vector<128x128xi32>
    %iota3A_248 = tpu.iota {dimensions = array<i32: 1>} : vector<128x128xi32>
    %jit3A_249 = arith.constant 32 : i32
    %eq3A_250 = arith.constant 0 : i32
    %eq3A_251 = arith.cmpi eq, %jit3A_249, %eq3A_250 : i32
    %jit3A_252 = arith.constant 1 : i32
    %select_n3A_253 = arith.select %eq3A_251, %jit3A_252, %jit3A_249 : i32
    %rem3A_254 = vector.broadcast %select_n3A_253 : i32 to vector<128x128xi32>
    %rem3A_255 = arith.remsi %iota3A_247, %rem3A_254 : vector<128x128xi32>
    %ne3A_256 = arith.constant 0 : i32
    %ne3A_257 = vector.broadcast %ne3A_256 : i32 to vector<128x128xi32>
    %ne3A_258 = arith.cmpi ne, %rem3A_255, %ne3A_257 : vector<128x128xi32>
    %lt3A = arith.constant 0 : i32
    %lt3A_259 = vector.broadcast %lt3A : i32 to vector<128x128xi32>
    %lt3A_260 = arith.cmpi slt, %rem3A_255, %lt3A_259 : vector<128x128xi32>
    %lt3A_261 = arith.constant 0 : i32
    %lt3A_262 = arith.cmpi slt, %select_n3A_253, %lt3A_261 : i32
    %ne3A_263 = vector.broadcast %lt3A_262 : i1 to vector<128x128xi1>
    %ne3A_264 = vector.broadcast %ne3A_263 : vector<128x128xi1> to vector<128x128xi1>
    %ne3A_265 = arith.xori %lt3A_260, %ne3A_264 : vector<128x128xi1>
    %and3A_266 = arith.andi %ne3A_265, %ne3A_258 : vector<128x128xi1>
    %add3A_267 = vector.broadcast %select_n3A_253 : i32 to vector<128x128xi32>
    %add3A_268 = arith.addi %rem3A_255, %add3A_267 : vector<128x128xi32>
    %select_n3A_269 = arith.select %and3A_266, %add3A_268, %rem3A_255 : vector<128x128xi1>, vector<128x128xi32>
    %jit3A_270 = arith.constant 4 : i32
    %div3A_271 = vector.broadcast %jit3A_270 : i32 to vector<128x128xi32>
    %div3A_272 = arith.divsi %select_n3A_269, %div3A_271 : vector<128x128xi32>
    %sign3A_273 = arith.constant 0 : i32
    %sign3A_274 = vector.broadcast %sign3A_273 : i32 to vector<128x128xi32>
    %sign3A_275 = arith.cmpi sgt, %select_n3A_269, %sign3A_274 : vector<128x128xi32>
    %sign3A_276 = arith.extui %sign3A_275 : vector<128x128xi1> to vector<128x128xi32>
    %sign3A_277 = arith.constant 0 : i32
    %sign3A_278 = vector.broadcast %sign3A_277 : i32 to vector<128x128xi32>
    %sign3A_279 = arith.cmpi slt, %select_n3A_269, %sign3A_278 : vector<128x128xi32>
    %sign3A_280 = arith.extui %sign3A_279 : vector<128x128xi1> to vector<128x128xi32>
    %sign3A_281 = arith.subi %sign3A_276, %sign3A_280 : vector<128x128xi32>
    %sign3A_282 = arith.constant 0 : i32
    %sign3A_283 = arith.cmpi sgt, %jit3A_270, %sign3A_282 : i32
    %sign3A_284 = arith.extui %sign3A_283 : i1 to i32
    %sign3A_285 = arith.constant 0 : i32
    %sign3A_286 = arith.cmpi slt, %jit3A_270, %sign3A_285 : i32
    %sign3A_287 = arith.extui %sign3A_286 : i1 to i32
    %sign3A_288 = arith.subi %sign3A_284, %sign3A_287 : i32
    %ne3A_289 = vector.broadcast %sign3A_288 : i32 to vector<128x128xi32>
    %ne3A_290 = arith.cmpi ne, %sign3A_281, %ne3A_289 : vector<128x128xi32>
    %rem3A_291 = vector.broadcast %jit3A_270 : i32 to vector<128x128xi32>
    %rem3A_292 = arith.remsi %select_n3A_269, %rem3A_291 : vector<128x128xi32>
    %ne3A_293 = arith.constant 0 : i32
    %ne3A_294 = vector.broadcast %ne3A_293 : i32 to vector<128x128xi32>
    %ne3A_295 = arith.cmpi ne, %rem3A_292, %ne3A_294 : vector<128x128xi32>
    %and3A_296 = arith.andi %ne3A_290, %ne3A_295 : vector<128x128xi1>
    %sub3A_297 = arith.constant 1 : i32
    %sub3A_298 = vector.broadcast %sub3A_297 : i32 to vector<128x128xi32>
    %sub3A_299 = arith.subi %div3A_272, %sub3A_298 : vector<128x128xi32>
    %select_n3A_300 = arith.select %and3A_296, %sub3A_299, %div3A_272 : vector<128x128xi1>, vector<128x128xi32>
    %mul3A_301 = arith.constant 16 : i32
    %mul3A_302 = vector.broadcast %mul3A_301 : i32 to vector<128x128xi32>
    %mul3A_303 = arith.muli %select_n3A_300, %mul3A_302 : vector<128x128xi32>
    %jit3A_304 = arith.constant 32 : i32
    %div3A_305 = vector.broadcast %jit3A_304 : i32 to vector<128x128xi32>
    %div3A_306 = arith.divsi %iota3A_247, %div3A_305 : vector<128x128xi32>
    %sign3A_307 = arith.constant 0 : i32
    %sign3A_308 = vector.broadcast %sign3A_307 : i32 to vector<128x128xi32>
    %sign3A_309 = arith.cmpi sgt, %iota3A_247, %sign3A_308 : vector<128x128xi32>
    %sign3A_310 = arith.extui %sign3A_309 : vector<128x128xi1> to vector<128x128xi32>
    %sign3A_311 = arith.constant 0 : i32
    %sign3A_312 = vector.broadcast %sign3A_311 : i32 to vector<128x128xi32>
    %sign3A_313 = arith.cmpi slt, %iota3A_247, %sign3A_312 : vector<128x128xi32>
    %sign3A_314 = arith.extui %sign3A_313 : vector<128x128xi1> to vector<128x128xi32>
    %sign3A_315 = arith.subi %sign3A_310, %sign3A_314 : vector<128x128xi32>
    %sign3A_316 = arith.constant 0 : i32
    %sign3A_317 = arith.cmpi sgt, %jit3A_304, %sign3A_316 : i32
    %sign3A_318 = arith.extui %sign3A_317 : i1 to i32
    %sign3A_319 = arith.constant 0 : i32
    %sign3A_320 = arith.cmpi slt, %jit3A_304, %sign3A_319 : i32
    %sign3A_321 = arith.extui %sign3A_320 : i1 to i32
    %sign3A_322 = arith.subi %sign3A_318, %sign3A_321 : i32
    %ne3A_323 = vector.broadcast %sign3A_322 : i32 to vector<128x128xi32>
    %ne3A_324 = arith.cmpi ne, %sign3A_315, %ne3A_323 : vector<128x128xi32>
    %rem3A_325 = vector.broadcast %jit3A_304 : i32 to vector<128x128xi32>
    %rem3A_326 = arith.remsi %iota3A_247, %rem3A_325 : vector<128x128xi32>
    %ne3A_327 = arith.constant 0 : i32
    %ne3A_328 = vector.broadcast %ne3A_327 : i32 to vector<128x128xi32>
    %ne3A_329 = arith.cmpi ne, %rem3A_326, %ne3A_328 : vector<128x128xi32>
    %and3A_330 = arith.andi %ne3A_324, %ne3A_329 : vector<128x128xi1>
    %sub3A_331 = arith.constant 1 : i32
    %sub3A_332 = vector.broadcast %sub3A_331 : i32 to vector<128x128xi32>
    %sub3A_333 = arith.subi %div3A_306, %sub3A_332 : vector<128x128xi32>
    %select_n3A_334 = arith.select %and3A_330, %sub3A_333, %div3A_306 : vector<128x128xi1>, vector<128x128xi32>
    %mul3A_335 = arith.constant 4 : i32
    %mul3A_336 = vector.broadcast %mul3A_335 : i32 to vector<128x128xi32>
    %mul3A_337 = arith.muli %select_n3A_334, %mul3A_336 : vector<128x128xi32>
    %add3A_338 = arith.addi %mul3A_303, %mul3A_337 : vector<128x128xi32>
    %jit3A_339 = arith.constant 4 : i32
    %eq3A_340 = arith.constant 0 : i32
    %eq3A_341 = arith.cmpi eq, %jit3A_339, %eq3A_340 : i32
    %jit3A_342 = arith.constant 1 : i32
    %select_n3A_343 = arith.select %eq3A_341, %jit3A_342, %jit3A_339 : i32
    %rem3A_344 = vector.broadcast %select_n3A_343 : i32 to vector<128x128xi32>
    %rem3A_345 = arith.remsi %iota3A_247, %rem3A_344 : vector<128x128xi32>
    %ne3A_346 = arith.constant 0 : i32
    %ne3A_347 = vector.broadcast %ne3A_346 : i32 to vector<128x128xi32>
    %ne3A_348 = arith.cmpi ne, %rem3A_345, %ne3A_347 : vector<128x128xi32>
    %lt3A_349 = arith.constant 0 : i32
    %lt3A_350 = vector.broadcast %lt3A_349 : i32 to vector<128x128xi32>
    %lt3A_351 = arith.cmpi slt, %rem3A_345, %lt3A_350 : vector<128x128xi32>
    %lt3A_352 = arith.constant 0 : i32
    %lt3A_353 = arith.cmpi slt, %select_n3A_343, %lt3A_352 : i32
    %ne3A_354 = vector.broadcast %lt3A_353 : i1 to vector<128x128xi1>
    %ne3A_355 = vector.broadcast %ne3A_354 : vector<128x128xi1> to vector<128x128xi1>
    %ne3A_356 = arith.xori %lt3A_351, %ne3A_355 : vector<128x128xi1>
    %and3A_357 = arith.andi %ne3A_356, %ne3A_348 : vector<128x128xi1>
    %add3A_358 = vector.broadcast %select_n3A_343 : i32 to vector<128x128xi32>
    %add3A_359 = arith.addi %rem3A_345, %add3A_358 : vector<128x128xi32>
    %select_n3A_360 = arith.select %and3A_357, %add3A_359, %rem3A_345 : vector<128x128xi1>, vector<128x128xi32>
    %add3A_361 = arith.addi %add3A_338, %select_n3A_360 : vector<128x128xi32>
    %eq3A_362 = arith.cmpi eq, %iota3A_248, %add3A_361 : vector<128x128xi32>
    %convert_element_type3A_363 = arith.extui %eq3A_362 : vector<128x128xi1> to vector<128x128xi32>
    %convert_element_type3A_364 = arith.sitofp %convert_element_type3A_363 : vector<128x128xi32> to vector<128x128xf32>
    %dot_general3A_365 = arith.constant dense<0.000000e+00> : vector<256x128xf32>
    %dot_general3A_366 = tpu.matmul %concatenate3A, %convert_element_type3A_364, %dot_general3A_365 {dimension_numbers = #tpu.dot_dimension_numbers<[1], [0], [0], [1], [0, 0, 1, 1], [], []>, transpose_lhs_hint = false} : vector<256x128xf32>, vector<128x128xf32>, vector<256x128xf32> -> vector<256x128xf32>
    %dot_general3A_367 = arith.constant dense<0.000000e+00> : vector<256x128xf32>
    %dot_general3A_368 = tpu.matmul %concatenate3A_229, %convert_element_type3A_364, %dot_general3A_367 {dimension_numbers = #tpu.dot_dimension_numbers<[1], [0], [0], [1], [0, 0, 1, 1], [], []>, transpose_lhs_hint = false} : vector<256x128xf32>, vector<128x128xf32>, vector<256x128xf32> -> vector<256x128xf32>
    %mul3A_369 = arith.constant 3.200000e+01 : f32
    %mul3A_370 = vector.broadcast %mul3A_369 : f32 to vector<256x128xf32>
    %mul3A_371 = arith.mulf %dot_general3A_368, %mul3A_370 : vector<256x128xf32>
    %add3A_372 = arith.addf %mul3A_371, %dot_general3A_366 : vector<256x128xf32>
    %add3A_373 = arith.constant 5.000000e-01 : f32
    %add3A_374 = vector.broadcast %add3A_373 : f32 to vector<256x128xf32>
    %add3A_375 = arith.addf %add3A_372, %add3A_374 : vector<256x128xf32>
    %convert_element_type3A_376 = arith.fptosi %add3A_375 : vector<256x128xf32> to vector<256x128xi32>
    %swap3A_377 = arith.constant 0 : index
    %swap3A_378 = arith.constant 0 : index
    %swap3A_379 = vector.load %arg11[%swap3A_377, %swap3A_378] : memref<256x128xi32, #tpu.memory_space<vmem>>, vector<256x128xi32>
    tpu.vector_store %arg11[%swap3A_377, %swap3A_378], %convert_element_type3A_376 {strides = array<i32>} : memref<256x128xi32, #tpu.memory_space<vmem>>, vector<256x128xi32>,
    %dot_general3A_380 = arith.constant dense<0.000000e+00> : vector<256x128xf32>
    %dot_general3A_381 = tpu.matmul %concatenate3A_246, %convert_element_type3A_364, %dot_general3A_380 {dimension_numbers = #tpu.dot_dimension_numbers<[1], [0], [0], [1], [0, 0, 1, 1], [], []>, transpose_lhs_hint = false} : vector<256x128xf32>, vector<128x128xf32>, vector<256x128xf32> -> vector<256x128xf32>
    %swap3A_382 = arith.constant 0 : index
    %swap3A_383 = arith.constant 0 : index
    %swap3A_384 = vector.load %arg12[%swap3A_382, %swap3A_383] : memref<256x128xf32, #tpu.memory_space<vmem>>, vector<256x128xf32>
    tpu.vector_store %arg12[%swap3A_382, %swap3A_383], %dot_general3A_381 {strides = array<i32>} : memref<256x128xf32, #tpu.memory_space<vmem>>, vector<256x128xf32>,
    return
  }
  func.func @transform_0(%arg0: i32) -> (i32, i32) {
    %c0_i32 = arith.constant 0 : i32
    %c0_i32_0 = arith.constant 0 : i32
    return %arg0, %c0_i32 : i32, i32
  }
  func.func @transform_1(%arg0: i32) -> (i32, i32) {
    %c0_i32 = arith.constant 0 : i32
    %c0_i32_0 = arith.constant 0 : i32
    return %arg0, %c0_i32 : i32, i32
  }
  func.func @transform_2(%arg0: i32) -> (i32, i32) {
    %jit3A = arith.constant 4 : i32
    %eq3A = arith.constant 0 : i32
    %eq3A_0 = arith.cmpi eq, %jit3A, %eq3A : i32
    %jit3A_1 = arith.constant 1 : i32
    %select_n3A = arith.select %eq3A_0, %jit3A_1, %jit3A : i32
    %rem3A = arith.remsi %arg0, %select_n3A : i32
    %ne3A = arith.constant 0 : i32
    %ne3A_2 = arith.cmpi ne, %rem3A, %ne3A : i32
    %lt3A = arith.constant 0 : i32
    %lt3A_3 = arith.cmpi slt, %rem3A, %lt3A : i32
    %lt3A_4 = arith.constant 0 : i32
    %lt3A_5 = arith.cmpi slt, %select_n3A, %lt3A_4 : i32
    %ne3A_6 = arith.xori %lt3A_3, %lt3A_5 : i1
    %and3A = arith.andi %ne3A_6, %ne3A_2 : i1
    %add3A = arith.addi %rem3A, %select_n3A : i32
    %select_n3A_7 = arith.select %and3A, %add3A, %rem3A : i32
    %c0_i32 = arith.constant 0 : i32
    %c0_i32_8 = arith.constant 0 : i32
    return %select_n3A_7, %c0_i32 : i32, i32
  }
  func.func @transform_3(%arg0: i32) -> (i32, i32) {
    %c0_i32 = arith.constant 0 : i32
    %c0_i32_0 = arith.constant 0 : i32
    %c0_i32_1 = arith.constant 0 : i32
    return %c0_i32, %c0_i32_0 : i32, i32
  }
  func.func @transform_4(%arg0: i32) -> (i32, i32) {
    %c0_i32 = arith.constant 0 : i32
    %c0_i32_0 = arith.constant 0 : i32
    %c0_i32_1 = arith.constant 0 : i32
    return %c0_i32, %c0_i32_0 : i32, i32
  }
  func.func @transform_5(%arg0: i32) -> (i32, i32) {
    %c0_i32 = arith.constant 0 : i32
    %c0_i32_0 = arith.constant 0 : i32
    %c0_i32_1 = arith.constant 0 : i32
    return %c0_i32, %c0_i32_0 : i32, i32
  }
  func.func @transform_6(%arg0: i32) -> (i32, i32) {
    %c0_i32 = arith.constant 0 : i32
    %c0_i32_0 = arith.constant 0 : i32
    %c0_i32_1 = arith.constant 0 : i32
    return %c0_i32, %c0_i32_0 : i32, i32
  }
  func.func @transform_7(%arg0: i32) -> (i32, i32) {
    %c0_i32 = arith.constant 0 : i32
    %c0_i32_0 = arith.constant 0 : i32
    %c0_i32_1 = arith.constant 0 : i32
    return %c0_i32, %c0_i32_0 : i32, i32
  }
  func.func @transform_8(%arg0: i32) -> (i32, i32) {
    %c0_i32 = arith.constant 0 : i32
    %c0_i32_0 = arith.constant 0 : i32
    %c0_i32_1 = arith.constant 0 : i32
    return %c0_i32, %c0_i32_0 : i32, i32
  }
  func.func @transform_9(%arg0: i32) -> (i32, i32) {
    %c0_i32 = arith.constant 0 : i32
    %c0_i32_0 = arith.constant 0 : i32
    return %arg0, %c0_i32 : i32, i32
  }
  func.func @transform_10(%arg0: i32) -> (i32, i32) {
    %c0_i32 = arith.constant 0 : i32
    %c0_i32_0 = arith.constant 0 : i32
    return %arg0, %c0_i32 : i32, i32
  }
  func.func @transform_11(%arg0: i32) -> (i32, i32) {
    %c0_i32 = arith.constant 0 : i32
    %c0_i32_0 = arith.constant 0 : i32
    return %arg0, %c0_i32 : i32, i32
  }
}

module attributes {stable_mosaic.version = 14 : i64} {
  func.func @_matmul_kernel(%arg0: i32, %arg1: memref<1536x128xf32, #tpu.memory_space<vmem>>, %arg2: memref<768x768xf32, #tpu.memory_space<vmem>>, %arg3: memref<1x768xf32, #tpu.memory_space<vmem>>, %arg4: memref<256x768xf32, #tpu.memory_space<vmem>>) attributes {dimension_semantics = [#tpu.dimension_semantics<arbitrary>], iteration_bounds = array<i64: 8>, scalar_prefetch = 0 : i64, scratch_operands = 0 : i64, tpu.core_type = #tpu.core_type<tc>, window_params = [{transform_indices = @transform_0, window_bounds = array<i64: 1536, 128>}, {pipeline_mode = #tpu.pipeline_mode<synchronous>, transform_indices = @transform_1, window_bounds = array<i64: 768, 768>}, {pipeline_mode = #tpu.pipeline_mode<synchronous>, transform_indices = @transform_2, window_bounds = array<i64: 1, 768>}, {transform_indices = @transform_3, window_bounds = array<i64: 256, 768>}]} {
    %get3A = arith.constant 0 : index
    %get3A_0 = arith.constant 0 : index
    %get3A_1 = vector.load %arg1[%get3A, %get3A_0] : memref<1536x128xf32, #tpu.memory_space<vmem>>, vector<1536x128xf32>
    %reshape3A = vector.shape_cast %get3A_1 : vector<1536x128xf32> to vector<256x768xf32>
    %get3A_2 = arith.constant 0 : index
    %get3A_3 = arith.constant 0 : index
    %get3A_4 = vector.load %arg2[%get3A_2, %get3A_3] : memref<768x768xf32, #tpu.memory_space<vmem>>, vector<768x768xf32>
    %dot_general3A = arith.constant dense<0.000000e+00> : vector<256x768xf32>
    %dot_general3A_5 = tpu.matmul %reshape3A, %get3A_4, %dot_general3A {dimension_numbers = #tpu.dot_dimension_numbers<[1], [0], [0], [1], [0, 0, 1, 1], [], []>, transpose_lhs_hint = false} : vector<256x768xf32>, vector<768x768xf32>, vector<256x768xf32> -> vector<256x768xf32>
    %get3A_6 = arith.constant 0 : index
    %get3A_7 = arith.constant 0 : index
    %get3A_8 = vector.load %arg3[%get3A_6, %get3A_7] : memref<1x768xf32, #tpu.memory_space<vmem>>, vector<1x768xf32>
    %add3A = vector.broadcast %get3A_8 : vector<1x768xf32> to vector<256x768xf32>
    %add3A_9 = arith.addf %dot_general3A_5, %add3A : vector<256x768xf32>
    %swap3A = arith.constant 0 : index
    %swap3A_10 = arith.constant 0 : index
    %swap3A_11 = vector.load %arg4[%swap3A, %swap3A_10] : memref<256x768xf32, #tpu.memory_space<vmem>>, vector<256x768xf32>
    tpu.vector_store %arg4[%swap3A, %swap3A_10], %add3A_9 {strides = array<i32>} : memref<256x768xf32, #tpu.memory_space<vmem>>, vector<256x768xf32>,
    return
  }
  func.func @transform_0(%arg0: i32) -> (i32, i32) {
    %c0_i32 = arith.constant 0 : i32
    %c0_i32_0 = arith.constant 0 : i32
    return %arg0, %c0_i32 : i32, i32
  }
  func.func @transform_1(%arg0: i32) -> (i32, i32) {
    %c0_i32 = arith.constant 0 : i32
    %c0_i32_0 = arith.constant 0 : i32
    %c0_i32_1 = arith.constant 0 : i32
    return %c0_i32, %c0_i32_0 : i32, i32
  }
  func.func @transform_2(%arg0: i32) -> (i32, i32) {
    %c0_i32 = arith.constant 0 : i32
    %c0_i32_0 = arith.constant 0 : i32
    %c0_i32_1 = arith.constant 0 : i32
    return %c0_i32, %c0_i32_0 : i32, i32
  }
  func.func @transform_3(%arg0: i32) -> (i32, i32) {
    %c0_i32 = arith.constant 0 : i32
    %c0_i32_0 = arith.constant 0 : i32
    return %arg0, %c0_i32 : i32, i32
  }
}

</mosaic_0001>

<sc_bundles>
// kernel: kernel.5.cloned.1.call-start
scs
__scs_entry_jumppad:
0x0: {  	(pc) =	sbr.rel $0x88, $3  }
0x1: {  	(tag) =	ssettag $0x0;
	lr =	simm.s32 $0x1  }
0x2: {  	[smem:$0x3F94] =	sst lr;
	_ =	strace $0xD0000000  }
0x3: {  	_ = 	snop  }
0x4: {  	_ = 	snop  }
0x5: {  	_ = 	snop  }
0x6: {  	_ = 	snop  }
0x7: {  	_ = 	snop  }
__scs_overlays_trampoline_lowered:
0x8: {  	[smem:$0x3FA3] =	sst s0  }
0x9: {  	[smem:$0x3FA4] =	sst s1  }
0xa: {  	[smem:$0x3FA5] =	sst s2  }
0xb: {  	[smem:$0x3FA6] =	sst s3  }
0xc: {  	[smem:$0x3FA7] =	sst s4  }
0xd: {  	[smem:$0x3FA8] =	sst s5  }
0xe: {  	[smem:$0x3FA9] =	sst s6  }
0xf: {  	[smem:$0x3FAA] =	sst s7  }
0x10: {  	[smem:$0x3FAB] =	sst s8  }
0x11: {  	[smem:$0x3FAC] =	sst s9;
	s0 =	simm.s32 @!p0 $0x0  }
0x12: {  	s1 =	sld [smem:$0x3F92];
	s0 =	simm.s32 @p0 $0x1  }
0x13: {  	[smem:$0x3FAD] =	sst s0;
	s0 =	simm.s32 @!p1 $0x0  }
0x14: {  	s2 =	sld [smem:$0x3F91];
	s0 =	simm.s32 @p1 $0x1  }
0x15: {  	[smem:$0x3FAE] =	sst s0;
	s0 =	simm.s32 @!p2 $0x0  }
0x16: {  	s3 =	sld [smem:$0x3FDB];
	s0 =	simm.s32 @p2 $0x1  }
0x17: {  	s4 =	simm.s32 $0x1BF5;
	[smem:$0x3FB0] =	sst s0  }
0x18: {  	s0 =	sld [smem:$0x3F93];
	_ =	swait.ge [sflag:s4], $0x0  }
0x19: {  	s7 =	sld [smem:$0x3F94]  }
0x1a: {  	s8 =	sadd.s32 $0xFFFFE003, lr  }
0x1b: {  	s9 =	sadd.s32 $0xFFFFFEF7, lr;
	s5 =	simm.s32 $0xFFFFFFFF;
	p2 =	slt.u32 s8, $0xFFFFF086  }
0x1c: {  	p1 =	slt.u32 s9, $0xF7A;
	s5 =	simm.s32 @!p2 $0x0  }
0x1d: {  	s5 =	simm.s32 @p1 $0x1;
	p0 =	seq.s32 s7, s2  }
0x1e: {  	s7 =	smul.u32 @!p0 $0xF7A, s2;
	p2 =	seq.s32 @!p0 s5, $0x0  }
0x1f: {  	s9 =	smul.u32 $0xF7A, s1;
	s8 =	simm.s32 @!p0 $0x1BF5;
	p2 =	por !p2, p0  }
0x20: {  	[sflag:s8] =	ssyncset.s32 @!p0 $0xFFFFF086;
	s6 =	sadd.s32 @!p0 s3, s7;
	s7 =	simm.s32 @!p0 $0x108  }
0x21: {  	s3 =	sadd.s32 s3, s9;
	s6 =	sadd.s32 @!p0 $0x88, s6;
	s7 =	simm.s32 @p2 $0x1082  }
0x22: {  	[simem:s7], [sflag:s8] =	dma.local @!p0 [hbm:s6], $0xF7A  }
0x23: {  	s9 =	sor.u32 $0xD0000000, s2;
	s6 =	simm.s32 $0x108;
	_ =	swait.ge @!p0 [sflag:s8], $0x0  }
0x24: {  	s3 =	sadd.s32 $0x88, s3;
	s6 =	simm.s32 @!p1 $0x1082;
	[sflag:s4] =	ssyncset.s32 $0xFFFFF086  }
0x25: {  	[simem:s6], [sflag:s4] =	dma.local [hbm:s3], $0xF7A  }
0x26: {  	[smem:$0x3F94] =	sst s1;
	(tag) =	ssettag s2;
	_ =	strace s9  }
0x27: {  	s1 =	sld [smem:$0x3FA4]  }
0x28: {  	s2 =	sld [smem:$0x3FA5]  }
0x29: {  	s4 =	sld [smem:$0x3FA7]  }
0x2a: {  	p0 =	seq.s32 s5, $0x0;
	s5 =	sld [smem:$0x3FA8]  }
0x2b: {  	s6 =	sld [smem:$0x3FA9]  }
0x2c: {  	s7 =	sld [smem:$0x3FAA]  }
0x2d: {  	s3 =	simm.s32 $0x108;
	s8 =	sld [smem:$0x3FAB]  }
0x2e: {  	s3 =	simm.s32 @!p0 $0x1082;
	s9 =	sld [smem:$0x3FAC]  }
0x2f: {  	lr =	sadd.s32 s0, s3;
	s0 =	sld [smem:$0x3FA3]  }
0x30: {  	s3 =	sld [smem:$0x3FA6]  }
0x31: {  	[smem:$0x3FAF] =	sst s10  }
0x32: {  	s10 =	sld [smem:$0x3FAD];
	_ =	sdelay $0x3  }
0x33: {  	p0 =	seq.s32 s10, $0x1;
	s10 =	sld [smem:$0x3FAF];
	_ =	sdelay $0x3  }
0x34: {  	[smem:$0x3FAF] =	sst s10  }
0x35: {  	s10 =	sld [smem:$0x3FAE];
	_ =	sdelay $0x3  }
0x36: {  	p1 =	seq.s32 s10, $0x1;
	s10 =	sld [smem:$0x3FAF];
	_ =	sdelay $0x3  }
0x37: {  	[smem:$0x3FAF] =	sst s10  }
0x38: {  	s10 =	sld [smem:$0x3FB0]  }
0x39: {  	_ = 	snop;
	(pc) =	sbr.ind lr, $3  }
0x3a: {  	_ = 	snop  }
0x3b: {  	_ = 	snop  }
0x3c: {  	p2 =	seq.s32 s10, $0x1;
	s10 =	sld [smem:$0x3FAF]  }
0x3d: {  	_ =	shalt  }
0x3e: {  	_ =	shalt  }
0x3f: {  	_ =	shalt  }
0x40: {  	_ =	shalt  }
0x41: {  	_ =	shalt  }
0x42: {  	_ =	shalt  }
0x43: {  	_ =	shalt  }
0x44: {  	_ =	shalt  }
0x45: {  	_ =	shalt  }
0x46: {  	_ =	shalt  }
0x47: {  	_ =	shalt  }
0x48: {  	_ =	shalt  }
0x49: {  	_ =	shalt  }
0x4a: {  	_ =	shalt  }
0x4b: {  	_ =	shalt  }
0x4c: {  	_ =	shalt  }
0x4d: {  	_ =	shalt  }
0x4e: {  	_ =	shalt  }
0x4f: {  	_ =	shalt  }
0x50: {  	_ =	shalt  }
0x51: {  	_ =	shalt  }
0x52: {  	_ =	shalt  }
0x53: {  	_ =	shalt  }
0x54: {  	_ =	shalt  }
0x55: {  	_ =	shalt  }
0x56: {  	_ =	shalt  }
0x57: {  	_ =	shalt  }
0x58: {  	_ =	shalt  }
0x59: {  	_ =	shalt  }
0x5a: {  	_ =	shalt  }
0x5b: {  	_ =	shalt  }
0x5c: {  	_ =	shalt  }
0x5d: {  	_ =	shalt  }
0x5e: {  	_ =	shalt  }
0x5f: {  	_ =	shalt  }
0x60: {  	_ =	shalt  }
0x61: {  	_ =	shalt  }
0x62: {  	_ =	shalt  }
0x63: {  	_ =	shalt  }
0x64: {  	_ =	shalt  }
0x65: {  	_ =	shalt  }
0x66: {  	_ =	shalt  }
0x67: {  	_ =	shalt  }
0x68: {  	_ =	shalt  }
0x69: {  	_ =	shalt  }
0x6a: {  	_ =	shalt  }
0x6b: {  	_ =	shalt  }
0x6c: {  	_ =	shalt  }
0x6d: {  	_ =	shalt  }
0x6e: {  	_ =	shalt  }
0x6f: {  	_ =	shalt  }
0x70: {  	_ =	shalt  }
0x71: {  	_ =	shalt  }
0x72: {  	_ =	shalt  }
0x73: {  	_ =	shalt  }
0x74: {  	_ =	shalt  }
0x75: {  	_ =	shalt  }
0x76: {  	_ =	shalt  }
0x77: {  	_ =	shalt  }
0x78: {  	_ =	shalt  }
0x79: {  	_ =	shalt  }
0x7a: {  	_ =	shalt  }
0x7b: {  	_ =	shalt  }
0x7c: {  	_ =	shalt  }
0x7d: {  	_ =	shalt  }
0x7e: {  	_ =	shalt  }
0x7f: {  	_ =	shalt  }
0x80: {  	_ =	shalt  }
0x81: {  	_ =	shalt  }
0x82: {  	_ =	shalt  }
0x83: {  	_ =	shalt  }
0x84: {  	_ =	shalt  }
0x85: {  	_ =	shalt  }
0x86: {  	_ =	shalt  }
0x87: {  	_ =	shalt  }
.Lfunc_end0:
.L_simem_size_0:
called_computation_lowered:
.L_overlay_start_0:
0x88: {  	s2 =	sld [smem:$0x3FD9]  }
0x89: {  	s3 =	sld [smem:$0x3FFE];
	_ =	sdelay $0x1  }
0x8a: {  	s1 =	srdreg.scid  }
0x8b: {  	s0 =	sand.u32 $0x1, s1  }
0x8c: {  	s17 =	sshll.u32 s0, $0xA;
	s2 =	sadd.s32 s3, s2  }
0x8d: {  	s2 =	sadd.s32 s2, s17  }
0x8e: {  	[smem:$0x3FBB] =	sst s2  }
0x8f: {  	_ = 	snop  }
0x90: {  	s2 =	sld [smem:$0x3FD0];
	(tm) =	ssettm $0x1  }
0x91: {  	s18 =	sld [smem:$0x3FFB];
	_ =	sdelay $0x3  }
0x92: {  	_ =	strace s18  }
0x93: {  	s3 =	sld [smem:$0x3FFC];
	_ =	sdelay $0x3  }
0x94: {  	_ =	strace s3  }
0x95: {  	s3 =	sld [smem:$0x3FFD];
	_ =	sdelay $0x3  }
0x96: {  	_ =	strace s3  }
0x97: {  	_ =	strace $0x8FFFFFFF  }
0x98: {  	s19 =	sld [smem:$0x3FDB];
	_ =	sdelay $0x1  }
0x99: {  	s4 =	simm.s32 $_scs_section_size  }
0x9a: {  	s5 =	simm.s32 $_size__tile_overlayer_lowered;
	s6 =	simm.s32 $_tile_overlayer_lowered  }
0x9b: {  	s22 =	simm.s32 $0x1BFF;
	s21 =	sshll.u32 s6, $0x1;
	s3 =	sadd.s32 s4, s19  }
0x9c: {  	s7 =	simm.s32 $0x0;
	s20 =	sshll.u32 s5, $0x1;
	s5 =	sadd.s32 s21, s3  }
0x9d: {  	[timem:s7], [sflag:s22] =	dma.local [hbm:s5], s20  }
0x9e: {  	_ =	swait.ge [sflag:s22], s20  }
0x9f: {  	s4 =	ssub.s32 $0x0, s20;
	[sflag:s22] =	ssyncset.done $0x0  }
0xa0: {  	[sflag:s22] =	ssyncadd.s32 s4;
	_ =	sdelay $0x1  }
0xa1: {  	s23 =	simm.s32 $0x1B8B  }
0xa2: {  	_ =	swait.ge [sflag:s23], $0x1  }
0xa3: {  	[sflag:s23] =	ssyncset.done $0x0  }
0xa4: {  	s25 =	simm.s32 $0x1B8E;
	s24 =	sld [smem:$0x3FFE];
	[sflag:s23] =	ssyncadd.s32 $0xFFFFFFFF  }
0xa5: {  	s26 =	simm.s32 $execute0_lowered;
	[smem:$0x3FD2] =	sst s25  }
0xa6: {  	s5 =	sshll.u32 s26, $0x1;
	_ =	strace $0x80000046;
	[dreg:$0x1] =	wrdreg $0xFFFFFFFF  }
0xa7: {  	s28 =	simm.s32 $_size_execute0_lowered;
	s3 =	sadd.s32 s3, s5;
	[dreg:$0x0] =	wrdreg $0x0  }
0xa8: {  	s5 =	sshll.u32 s28, $0x1;
	[dreg:$0x2] =	wrdreg s3  }
0xa9: {  	[dreg:$0x3] =	wrdreg s5  }
0xaa: {  	[dreg:$0x4] =	wrdreg $0xC0  }
0xab: {  	_ =	task [dreg:s7], $0x5FFFF  }
0xac: {  	[dreg:$0x1] =	wrdreg $0xFFFFFFFF  }
0xad: {  	[dreg:$0x0] =	wrdreg $0x60  }
0xae: {  	[dreg:$0x2] =	wrdreg s2  }
0xaf: {  	[dreg:$0x3] =	wrdreg s24  }
0xb0: {  	[dreg:$0x4] =	wrdreg $0x9  }
0xb1: {  	_ =	task.clear_ibuf [dreg:s7], $0x5FFFF;
	_ =	strace $0x90000046  }
0xb2: {  	s29 =	simm.s32 $0x9;
	_ =	strace $0x80000048  }
0xb3: {  	_ =	swait.ge [sflag:s29], $0x1  }
0xb4: {  	[sflag:s29] =	ssyncadd.s32 $0xFFFFFFFF  }
0xb5: {  	_ =	strace $0x90000048  }
0xb6: {  	_ =	sfence  }
0xb7: {  	s30 =	sld [smem:$0x0];
	_ =	sdelay $0x2  }
0xb8: {  	s31 =	sshll.u32 s1, $0xD;
	s1 =	sshrl.u32 s1, $0x2  }
0xb9: {  	s3 =	sand.u32 $0x4000, s31;
	s1 =	sadd.s32 s1, s30  }
0xba: {  	s0 =	sor.u32 s3, s0;
	s1 =	sshll.u32 s1, $0x11  }
0xbb: {  	s0 =	sor.u32 s1, s0  }
0xbc: {  	s0 =	sadd.s32 $0x8F2B, s0  }
0xbd: {  	[sflag:s0] =	ssyncadd.remote.s32 $0x1  }
0xbe: {  	_ =	sfence.sel $0xFFFF  }
0xbf: {  	[dreg:$0x0] =	wrdreg $0xFFFFFFFF;
	(pc) =	sbr.abs _section_cstart, $3  }
0xc0: {  	[dreg:$0x1] =	wrdreg $0xFFFFFFFF  }
0xc1: {  	_ =	task.clear_ibuf [dreg:s7], $0x2FFFF;
	_ =	strace $0x9FFFFFFF  }
0xc2: {  	(tm) =	ssettm $0x7FFFFFFF  }
0xc3: {  	_ =	shalt  }
tec
execute0_lowered:
.L_overlay_start_1:
0x0: {  	(tag) =	ssettag $0x1  }
0x1: {  	s5 =	rddreg [dreg:$0x0]  }
0x2: {  	s3 =	rddreg [dreg:$0x1]  }
0x3: {  	s0 =	rddreg [dreg:$0x2];
	s2 =	simm.s32 $0x0  }
0x4: {  	s4 =	srdreg.scid;
	s1 =	stileid.u32;
	s11 =	simm.s32 $0x300  }
0x5: {  	s12 =	simm.s32 $0x10;
	s13 =	simm.s32 $0x80;
	s14 =	simm.s32 $0x18000  }
0x6: {  	s15 =	simm.s32 $0x1A000;
	s16 =	simm.s32 $0x1;
	s17 =	simm.s32 $0x2  }
0x7: {  	s18 =	simm.s32 $0x0;
	[smem:$0x7FF] =	sst s2;
	s6 =	sshrl.u32 s1, $0x3  }
0x8: {  	s4 =	sand.u32 $0x1, s4;
	s7 =	sand.u32 $0x7, s1;
	s8 =	sshll.u32 s6, $0xE  }
0x9: {  	s9 =	sshll.u32 s4, $0xD;
	s6 =	smul.u32 $0xC0000, s6;
	s30 =	sshll.u32 s7, $0x1  }
0xa: {  	s7 =	smul.u32 $0x60, s7;
	_ =	strace $0x80000047;
	s31 =	ssub.s32 $0x2, s4  }
0xb: {  	s4 =	sshll.u32 s4, $0x9;
	s8 =	sor.u32 s9, s8;
	s10 =	sshrl.u32 s31, $0x1  }
0xc: {  	s8 =	sor.u32 s30, s8;
	s6 =	sor.u32 s7, s6;
	s9 =	ssub.s32 s31, s10  }
0xd: {  	s10 =	simm.s32 $0x60;
	s8 =	sadd.s32 s8, s3;
	s6 =	sshrl.u32 s6, $0x3  }
0xe: {  	s3 =	sadd.s32 $0x12600, s3;
	s9 =	smax.u32 s9, $0x1;
	s5 =	sadd.s32 s5, s6  }
0xf: {  	s6 =	sadd.s32 $0x2600, s8;
	s7 =	sadd.s32 $0xA600, s8;
	s8 =	smul.u32 $0x18000, s1  }
.LBB2_1:
0x10: {  	[tilespmem:s2], [sflag:$0x1] =	stream.strided.gather [hbm4b:s5+s10], $0x18000, s11, s10, $0x38;
	[tilespmem:$0x1F000] =	vst v63  }
0x11: {  	_ = 	snop  }
0x12: {  	[tilespmem:s14], [sflag:$0x1] =	stream.strided.gather [hbm4b:s6+s12], $0x2000, s13, s12, $0x38;
	[tilespmem:$0x1F000] =	vst v63  }
0x13: {  	_ = 	snop  }
0x14: {  	[tilespmem:s15], [sflag:$0x1] =	stream.strided.gather [hbm4b:s7+s12], $0x2000, s13, s12, $0x38;
	[tilespmem:$0x1F000] =	vst v63  }
0x15: {  	_ =	swait.ge [sflag:s16], $0x18000  }
0x16: {  	[sflag:s16] =	ssyncset.done $0x0  }
0x17: {  	[sflag:s16] =	ssyncadd.s32 $0xFFFE8000  }
0x18: {  	_ =	swait.ge [sflag:s16], $0x2000  }
0x19: {  	[sflag:s16] =	ssyncset.done $0x0  }
0x1a: {  	[sflag:s16] =	ssyncadd.s32 $0xFFFFE000  }
0x1b: {  	_ =	swait.ge [sflag:s16], $0x2000  }
0x1c: {  	s19 =	simm.s32 $0x18010;
	[sflag:s16] =	ssyncset.done $0x0  }
0x1d: {  	s20 =	simm.s32 $0x1A010;
	s21 =	simm.s32 $0x0;
	[sflag:s16] =	ssyncadd.s32 $0xFFFFE000  }
.LBB2_2:
0x1e: {  	p0 =	slt.u32 s21, $0x2  }
0x1f: {  	s23 =	sand.u32 $0x1, s21;
	v0 =	vmov s19;
	s22 =	simm.s32 @!p0 $0x2  }
0x20: {  	p1 =	seq.s32 s23, $0x1;
	s23 =	simm.s32 $0x1800;
	_ =	swait.ge @!p0 [sflag:s22], $0x1800  }
0x21: {  	s24 =	simm.s32 $0x0;
	s23 =	simm.s32 @!p1 $0x0;
	[sflag:s22] =	ssyncset.done @!p0 $0x0  }
0x22: {  	v1 =	vmov s20;
	[sflag:s22] =	ssyncadd.s32 @!p0 $0xFFFFE800;
	s22 =	sor.u32 $0x1C000, s23;
	s23 =	sor.u32 $0x1C060, s23  }
.LBB2_3:
0x23: {  	s25 =	sshra.s32 s24, $0x2  }
0x24: {  	v2 =	vld.idx.msk [tilespmem:v0+s25+$0xFFFFFFF0 ss:$0x1], $0xffff;
	_ =	sdelay $0x4  }
0x25: {  	v2 =	vmul.u32 $0x180, v2;
	_ =	sdelay $0x1  }
0x26: {  	v3 =	vshra.s32 v2, $0x2  }
0x27: {  	(v2sf) =	vpush v3, $0x0;
	_ =	sdelay $0x5  }
0x28: {  	(v2sf) =	vpush v3, $0x1;
	_ =	sdelay $0x5  }
0x29: {  	(v2sf) =	vpush v3, $0x2;
	_ =	sdelay $0x2  }
0x2a: {  	v2 =	vld.idx.msk [tilespmem:v1+s25+$0xFFFFFFF0 ss:$0x1], $0xffff;
	s26 =	spop (v2sf)  }
0x2b: {  	v4 =	vld [tilespmem:s26+$0x0]  }
0x2c: {  	v5 =	vld [tilespmem:s26+$0x10]  }
0x2d: {  	(v2sf) =	vpush v3, $0x3;
	v6 =	vld [tilespmem:s26+$0x20]  }
0x2e: {  	v7 =	vld [tilespmem:s26+$0x30]  }
0x2f: {  	v8 =	vld [tilespmem:s26+$0x40]  }
0x30: {  	v9 =	vld [tilespmem:s26+$0x50];
	s28 =	spop (v2sf)  }
0x31: {  	v10 =	vld [tilespmem:s28+$0x0]  }
0x32: {  	v11 =	vld [tilespmem:s28+$0x10]  }
0x33: {  	(v2sf) =	vpush v3, $0x4;
	v12 =	vld [tilespmem:s28+$0x20]  }
0x34: {  	v13 =	vld [tilespmem:s28+$0x30]  }
0x35: {  	v14 =	vld [tilespmem:s28+$0x40]  }
0x36: {  	v15 =	vld [tilespmem:s28+$0x50];
	s29 =	spop (v2sf)  }
0x37: {  	v16 =	vld [tilespmem:s29+$0x0]  }
0x38: {  	v17 =	vld [tilespmem:s29+$0x10]  }
0x39: {  	(v2sf) =	vpush v3, $0x5;
	v18 =	vld [tilespmem:s29+$0x20]  }
0x3a: {  	v19 =	vld [tilespmem:s29+$0x30]  }
0x3b: {  	v20 =	vld [tilespmem:s29+$0x40]  }
0x3c: {  	v21 =	vld [tilespmem:s29+$0x50];
	s30 =	spop (v2sf)  }
0x3d: {  	v22 =	vld [tilespmem:s30+$0x0]  }
0x3e: {  	v23 =	vld [tilespmem:s30+$0x10]  }
0x3f: {  	(v2sf) =	vpush v3, $0x6;
	v24 =	vld [tilespmem:s30+$0x20]  }
0x40: {  	v25 =	vld [tilespmem:s30+$0x30]  }
0x41: {  	v26 =	vld [tilespmem:s30+$0x40]  }
0x42: {  	v27 =	vld [tilespmem:s30+$0x50];
	s31 =	spop (v2sf)  }
0x43: {  	v28 =	vld [tilespmem:s31+$0x0]  }
0x44: {  	v29 =	vld [tilespmem:s31+$0x10]  }
0x45: {  	(v2sf) =	vpush v3, $0x7;
	v30 =	vld [tilespmem:s31+$0x20]  }
0x46: {  	v31 =	vld [tilespmem:s31+$0x30]  }
0x47: {  	v33 =	vld [tilespmem:s31+$0x40]  }
0x48: {  	v32 =	vbroadcast v2, $0x0;
	v37 =	vbroadcast v2, $0x1;
	v34 =	vld [tilespmem:s31+$0x50];
	s28 =	spop (v2sf)  }
0x49: {  	v54 =	vbroadcast v2, $0x2;
	v60 =	vbroadcast v2, $0x3;
	v35 =	vld [tilespmem:s28+$0x0]  }
0x4a: {  	v4 =	vmul.f32 v4, v32;
	v5 =	vmul.f32 v5, v32;
	v36 =	vld [tilespmem:s28+$0x10]  }
0x4b: {  	v6 =	vmul.f32 v6, v32;
	v7 =	vmul.f32 v7, v32;
	(v2sf) =	vpush v3, $0x8;
	v38 =	vld [tilespmem:s28+$0x20]  }
0x4c: {  	v8 =	vmul.f32 v8, v32;
	v9 =	vmul.f32 v9, v32;
	v32 =	vld [tilespmem:s28+$0x30]  }
0x4d: {  	v43 =	vbroadcast v2, $0x4;
	v51 =	vbroadcast v2, $0x5;
	v39 =	vld [tilespmem:s28+$0x40]  }
0x4e: {  	v10 =	vmul.f32 v10, v37;
	v11 =	vmul.f32 v11, v37;
	v40 =	vld [tilespmem:s28+$0x50];
	s29 =	spop (v2sf)  }
0x4f: {  	v12 =	vmul.f32 v12, v37;
	v13 =	vmul.f32 v13, v37;
	v41 =	vld [tilespmem:s29+$0x0]  }
0x50: {  	v14 =	vmul.f32 v14, v37;
	v15 =	vmul.f32 v15, v37;
	v5 =	vadd.f32 v11, v5;
	v11 =	vld [tilespmem:s29+$0x10]  }
0x51: {  	v55 =	vmul.f32 v16, v54;
	v7 =	vadd.f32 v13, v7;
	(v2sf) =	vpush v3, $0x9;
	v13 =	vld [tilespmem:s29+$0x20]  }
0x52: {  	v56 =	vmul.f32 v17, v54;
	v57 =	vmul.f32 v18, v54;
	v17 =	vld [tilespmem:s29+$0x30]  }
0x53: {  	v58 =	vmul.f32 v19, v54;
	v4 =	vadd.f32 v10, v4;
	v6 =	vadd.f32 v12, v6;
	v19 =	vld [tilespmem:s29+$0x40]  }
0x54: {  	v59 =	vmul.f32 v20, v54;
	v8 =	vadd.f32 v14, v8;
	v9 =	vadd.f32 v15, v9;
	v14 =	vld [tilespmem:s29+$0x50];
	s30 =	spop (v2sf)  }
0x55: {  	v10 =	vmul.f32 v21, v54;
	v4 =	vadd.f32 v55, v4;
	v5 =	vadd.f32 v56, v5;
	v15 =	vld [tilespmem:s30+$0x0]  }
0x56: {  	v7 =	vadd.f32 v58, v7;
	v58 =	vbroadcast v2, $0x6;
	v61 =	vmul.f32 v22, v60;
	v20 =	vld [tilespmem:s30+$0x10]  }
0x57: {  	v62 =	vmul.f32 v23, v60;
	v63 =	vmul.f32 v24, v60;
	(v2sf) =	vpush v3, $0xA;
	v23 =	vld [tilespmem:s30+$0x20]  }
0x58: {  	v6 =	vadd.f32 v57, v6;
	v37 =	vmul.f32 v25, v60;
	v42 =	vmul.f32 v26, v60;
	v44 =	vld [tilespmem:s30+$0x30]  }
0x59: {  	v8 =	vadd.f32 v59, v8;
	v12 =	vmul.f32 v27, v60;
	v45 =	vmul.f32 v28, v43;
	v16 =	vld [tilespmem:s30+$0x40]  }
0x5a: {  	v9 =	vadd.f32 v10, v9;
	v46 =	vmul.f32 v29, v43;
	v47 =	vmul.f32 v30, v43;
	v21 =	vld [tilespmem:s30+$0x50];
	s31 =	spop (v2sf)  }
0x5b: {  	v48 =	vmul.f32 v31, v43;
	v49 =	vmul.f32 v33, v43;
	v4 =	vadd.f32 v61, v4;
	v26 =	vld [tilespmem:s31+$0x0]  }
0x5c: {  	v24 =	vmul.f32 v34, v43;
	v5 =	vadd.f32 v62, v5;
	v6 =	vadd.f32 v63, v6;
	v50 =	vld [tilespmem:s31+$0x10]  }
0x5d: {  	v7 =	vadd.f32 v37, v7;
	v52 =	vmul.f32 v35, v51;
	(v2sf) =	vpush v3, $0xB;
	v29 =	vld [tilespmem:s31+$0x20]  }
0x5e: {  	v8 =	vadd.f32 v42, v8;
	v53 =	vmul.f32 v36, v51;
	v54 =	vmul.f32 v38, v51;
	v10 =	vld [tilespmem:s31+$0x30]  }
0x5f: {  	v9 =	vadd.f32 v12, v9;
	v55 =	vmul.f32 v32, v51;
	v56 =	vmul.f32 v39, v51;
	v22 =	vld [tilespmem:s31+$0x40]  }
0x60: {  	v18 =	vmul.f32 v40, v51;
	v4 =	vadd.f32 v45, v4;
	v5 =	vadd.f32 v46, v5;
	v30 =	vld [tilespmem:s31+$0x50];
	s28 =	spop (v2sf)  }
0x61: {  	v36 =	vbroadcast v2, $0x7;
	v6 =	vadd.f32 v47, v6;
	v7 =	vadd.f32 v48, v7;
	v57 =	vld [tilespmem:s28+$0x0]  }
0x62: {  	v8 =	vadd.f32 v49, v8;
	v9 =	vadd.f32 v24, v9;
	v46 =	vbroadcast v2, $0x8;
	v59 =	vld [tilespmem:s28+$0x10]  }
0x63: {  	v6 =	vadd.f32 v54, v6;
	v54 =	vbroadcast v2, $0x9;
	(v2sf) =	vpush v3, $0xC;
	v60 =	vld [tilespmem:s28+$0x20]  }
0x64: {  	v4 =	vadd.f32 v52, v4;
	v61 =	vmul.f32 v41, v58;
	v11 =	vmul.f32 v11, v58;
	v62 =	vld [tilespmem:s28+$0x30]  }
0x65: {  	v5 =	vadd.f32 v53, v5;
	v13 =	vmul.f32 v13, v58;
	v17 =	vmul.f32 v17, v58;
	v63 =	vld [tilespmem:s28+$0x40]  }
0x66: {  	v7 =	vadd.f32 v55, v7;
	v19 =	vmul.f32 v19, v58;
	v14 =	vmul.f32 v14, v58;
	v37 =	vld [tilespmem:s28+$0x50];
	s29 =	spop (v2sf)  }
0x67: {  	v8 =	vadd.f32 v56, v8;
	v39 =	vmul.f32 v15, v36;
	v41 =	vmul.f32 v20, v36;
	v38 =	vld [tilespmem:s29+$0x0]  }
0x68: {  	v9 =	vadd.f32 v18, v9;
	v42 =	vmul.f32 v23, v36;
	v44 =	vmul.f32 v44, v36;
	v40 =	vld [tilespmem:s29+$0x10]  }
0x69: {  	v16 =	vmul.f32 v16, v36;
	v4 =	vadd.f32 v61, v4;
	(v2sf) =	vpush v3, $0xD;
	v43 =	vld [tilespmem:s29+$0x20]  }
0x6a: {  	v21 =	vmul.f32 v21, v36;
	v5 =	vadd.f32 v11, v5;
	v6 =	vadd.f32 v13, v6;
	v45 =	vld [tilespmem:s29+$0x30]  }
0x6b: {  	v7 =	vadd.f32 v17, v7;
	v8 =	vadd.f32 v19, v8;
	v49 =	vmul.f32 v26, v46;
	v47 =	vld [tilespmem:s29+$0x40]  }
0x6c: {  	v9 =	vadd.f32 v14, v9;
	v50 =	vmul.f32 v50, v46;
	v52 =	vmul.f32 v29, v46;
	v48 =	vld [tilespmem:s29+$0x50];
	s30 =	spop (v2sf)  }
0x6d: {  	v10 =	vmul.f32 v10, v46;
	v4 =	vadd.f32 v39, v4;
	v5 =	vadd.f32 v41, v5;
	v51 =	vld [tilespmem:s30+$0x0]  }
0x6e: {  	v22 =	vmul.f32 v22, v46;
	v6 =	vadd.f32 v42, v6;
	v7 =	vadd.f32 v44, v7;
	v53 =	vld [tilespmem:s30+$0x10]  }
0x6f: {  	v13 =	vmul.f32 v30, v46;
	v8 =	vadd.f32 v16, v8;
	(v2sf) =	vpush v3, $0xE;
	v55 =	vld [tilespmem:s30+$0x20]  }
0x70: {  	v29 =	vbroadcast v2, $0xA;
	v9 =	vadd.f32 v21, v9;
	v4 =	vadd.f32 v49, v4;
	v56 =	vld [tilespmem:s30+$0x30]  }
0x71: {  	v5 =	vadd.f32 v50, v5;
	v58 =	vld [tilespmem:s30+$0x40];
	v57 =	vmul.f32 v57, v54;
	v59 =	vmul.f32 v59, v54  }
0x72: {  	v6 =	vadd.f32 v52, v6;
	v61 =	vld [tilespmem:s30+$0x50];
	v60 =	vmul.f32 v60, v54;
	v62 =	vmul.f32 v62, v54;
	s31 =	spop (v2sf)  }
0x73: {  	v7 =	vadd.f32 v10, v7;
	v18 =	vmul.f32 v63, v54;
	v26 =	vmul.f32 v37, v54;
	v63 =	vld [tilespmem:s31+$0x0]  }
0x74: {  	v8 =	vadd.f32 v22, v8;
	v32 =	vmul.f32 v38, v29;
	v33 =	vmul.f32 v40, v29;
	v30 =	vld [tilespmem:s31+$0x10]  }
0x75: {  	v35 =	vmul.f32 v43, v29;
	v36 =	vmul.f32 v45, v29;
	(v2sf) =	vpush v3, $0xF;
	v31 =	vld [tilespmem:s31+$0x20]  }
0x76: {  	v9 =	vadd.f32 v13, v9;
	v17 =	vmul.f32 v47, v29;
	v38 =	vbroadcast v2, $0xB;
	v34 =	vld [tilespmem:s31+$0x30]  }
0x77: {  	v10 =	vmul.f32 v48, v29;
	v4 =	vadd.f32 v57, v4;
	v5 =	vadd.f32 v59, v5;
	v37 =	vld [tilespmem:s31+$0x40]  }
0x78: {  	v48 =	vbroadcast v2, $0xC;
	v6 =	vadd.f32 v60, v6;
	v8 =	vadd.f32 v18, v8;
	v39 =	vld [tilespmem:s31+$0x50];
	s28 =	spop (v2sf)  }
0x79: {  	v9 =	vadd.f32 v26, v9;
	v41 =	vmul.f32 v51, v38;
	v43 =	vmul.f32 v53, v38;
	v40 =	vld [tilespmem:s28+$0x0]  }
0x7a: {  	v44 =	vmul.f32 v55, v38;
	v46 =	vmul.f32 v56, v38;
	v4 =	vadd.f32 v32, v4;
	v42 =	vld [tilespmem:s28+$0x10]  }
0x7b: {  	v12 =	vmul.f32 v58, v38;
	v5 =	vadd.f32 v33, v5;
	v6 =	vadd.f32 v35, v6;
	v45 =	vld [tilespmem:s28+$0x20]  }
0x7c: {  	v22 =	vmul.f32 v61, v38;
	v8 =	vadd.f32 v17, v8;
	v9 =	vadd.f32 v10, v9;
	v47 =	vld [tilespmem:s28+$0x30]  }
0x7d: {  	v55 =	vbroadcast v2, $0xD;
	v4 =	vadd.f32 v41, v4;
	v5 =	vadd.f32 v43, v5;
	v49 =	vld [tilespmem:s28+$0x40]  }
0x7e: {  	v3 =	vadd.f32 v62, v7;
	v62 =	vbroadcast v2, $0xE;
	v2 =	vbroadcast v2, $0xF;
	v50 =	vld [tilespmem:s28+$0x50];
	s29 =	spop (v2sf)  }
0x7f: {  	v6 =	vadd.f32 v44, v6;
	v53 =	vld [tilespmem:s29+$0x0];
	v51 =	vmul.f32 v63, v48;
	v52 =	vmul.f32 v30, v48  }
0x80: {  	v8 =	vadd.f32 v12, v8;
	v54 =	vld [tilespmem:s29+$0x10];
	v21 =	vmul.f32 v31, v48;
	v13 =	vmul.f32 v34, v48  }
0x81: {  	v3 =	vadd.f32 v36, v3;
	v56 =	vld [tilespmem:s29+$0x20];
	v20 =	vmul.f32 v37, v48;
	v11 =	vmul.f32 v39, v48  }
0x82: {  	v9 =	vadd.f32 v22, v9;
	v57 =	vld [tilespmem:s29+$0x30];
	v7 =	vmul.f32 v40, v55;
	v58 =	vmul.f32 v42, v55  }
0x83: {  	v59 =	vld [tilespmem:s29+$0x40];
	v3 =	vadd.f32 v46, v3;
	v18 =	vmul.f32 v45, v55;
	v16 =	vmul.f32 v47, v55  }
0x84: {  	v60 =	vld [tilespmem:s29+$0x50];
	v61 =	vmul.f32 v49, v55;
	v4 =	vadd.f32 v51, v4;
	v5 =	vadd.f32 v52, v5;
	s30 =	spop (v2sf)  }
0x85: {  	v10 =	vmul.f32 v50, v55;
	v6 =	vadd.f32 v21, v6;
	v3 =	vadd.f32 v13, v3;
	v63 =	vld [tilespmem:s30+$0x0]  }
0x86: {  	v8 =	vadd.f32 v20, v8;
	v25 =	vmul.f32 v53, v62;
	v27 =	vmul.f32 v54, v62;
	v24 =	vld [tilespmem:s30+$0x10]  }
0x87: {  	v9 =	vadd.f32 v11, v9;
	v29 =	vmul.f32 v56, v62;
	v17 =	vmul.f32 v57, v62;
	v26 =	vld [tilespmem:s30+$0x20]  }
0x88: {  	v14 =	vmul.f32 v59, v62;
	v4 =	vadd.f32 v7, v4;
	v5 =	vadd.f32 v58, v5;
	v28 =	vld [tilespmem:s30+$0x30]  }
0x89: {  	v15 =	vmul.f32 v60, v62;
	v6 =	vadd.f32 v18, v6;
	v3 =	vadd.f32 v16, v3;
	v30 =	vld [tilespmem:s30+$0x40]  }
0x8a: {  	v8 =	vadd.f32 v61, v8;
	v4 =	vadd.f32 v25, v4;
	v32 =	vld [tilespmem:s30+$0x50];
	v31 =	vmul.f32 v63, v2  }
0x8b: {  	v9 =	vadd.f32 v10, v9;
	v5 =	vadd.f32 v27, v5;
	v7 =	vmul.f32 v24, v2  }
0x8c: {  	v6 =	vadd.f32 v29, v6;
	v33 =	vmul.f32 v26, v2;
	v4 =	vadd.f32 v31, v4  }
0x8d: {  	v3 =	vadd.f32 v17, v3;
	v34 =	vmul.f32 v28, v2;
	v5 =	vadd.f32 v7, v5  }
0x8e: {  	v35 =	vadd.f32 v14, v8;
	v36 =	vmul.f32 v30, v2;
	v6 =	vadd.f32 v33, v6;
	[tilespmem:s23+$0xFFFFFFA0] =	vst v4  }
0x8f: {  	v37 =	vadd.f32 v15, v9;
	v2 =	vmul.f32 v32, v2;
	v3 =	vadd.f32 v34, v3;
	[tilespmem:s23+$0xFFFFFFB0] =	vst v5  }
0x90: {  	v38 =	vadd.f32 v36, v35;
	[tilespmem:s23+$0xFFFFFFC0] =	vst v6  }
0x91: {  	v2 =	vadd.f32 v2, v37;
	[tilespmem:s23+$0xFFFFFFD0] =	vst v3  }
0x92: {  	[tilespmem:s23+$0xFFFFFFE0] =	vst v38  }
0x93: {  	[tilespmem:s23+$0xFFFFFFF0] =	vst v2  }
0x94: {  	v2 =	vld.idx.msk [tilespmem:v0+s25+$0x0 ss:$0x1], $0xffff;
	_ =	sdelay $0x4  }
0x95: {  	v2 =	vmul.u32 $0x180, v2;
	_ =	sdelay $0x1  }
0x96: {  	v3 =	vshra.s32 v2, $0x2  }
0x97: {  	(v2sf) =	vpush v3, $0x0;
	_ =	sdelay $0x5  }
0x98: {  	(v2sf) =	vpush v3, $0x1;
	_ =	sdelay $0x5  }
0x99: {  	(v2sf) =	vpush v3, $0x2;
	_ =	sdelay $0x2  }
0x9a: {  	v2 =	vld.idx.msk [tilespmem:v1+s25+$0x0 ss:$0x1], $0xffff;
	s31 =	spop (v2sf)  }
0x9b: {  	v39 =	vld [tilespmem:s31+$0x0]  }
0x9c: {  	v5 =	vld [tilespmem:s31+$0x10]  }
0x9d: {  	(v2sf) =	vpush v3, $0x3;
	v6 =	vld [tilespmem:s31+$0x20]  }
0x9e: {  	v63 =	vld [tilespmem:s31+$0x30]  }
0x9f: {  	v8 =	vld [tilespmem:s31+$0x40]  }
0xa0: {  	v9 =	vld [tilespmem:s31+$0x50];
	s26 =	spop (v2sf)  }
0xa1: {  	v40 =	vld [tilespmem:s26+$0x0]  }
0xa2: {  	v41 =	vld [tilespmem:s26+$0x10]  }
0xa3: {  	(v2sf) =	vpush v3, $0x4;
	v42 =	vld [tilespmem:s26+$0x20]  }
0xa4: {  	v43 =	vld [tilespmem:s26+$0x30]  }
0xa5: {  	v44 =	vld [tilespmem:s26+$0x40]  }
0xa6: {  	v45 =	vld [tilespmem:s26+$0x50];
	s28 =	spop (v2sf)  }
0xa7: {  	v46 =	vld [tilespmem:s28+$0x0]  }
0xa8: {  	v47 =	vld [tilespmem:s28+$0x10]  }
0xa9: {  	(v2sf) =	vpush v3, $0x5;
	v48 =	vld [tilespmem:s28+$0x20]  }
0xaa: {  	v49 =	vld [tilespmem:s28+$0x30]  }
0xab: {  	v50 =	vld [tilespmem:s28+$0x40]  }
0xac: {  	v51 =	vld [tilespmem:s28+$0x50];
	s29 =	spop (v2sf)  }
0xad: {  	v52 =	vld [tilespmem:s29+$0x0]  }
0xae: {  	v53 =	vld [tilespmem:s29+$0x10]  }
0xaf: {  	(v2sf) =	vpush v3, $0x6;
	v54 =	vld [tilespmem:s29+$0x20]  }
0xb0: {  	v55 =	vld [tilespmem:s29+$0x30]  }
0xb1: {  	v56 =	vld [tilespmem:s29+$0x40]  }
0xb2: {  	v27 =	vld [tilespmem:s29+$0x50];
	s30 =	spop (v2sf)  }
0xb3: {  	v57 =	vld [tilespmem:s30+$0x0]  }
0xb4: {  	v58 =	vld [tilespmem:s30+$0x10]  }
0xb5: {  	(v2sf) =	vpush v3, $0x7;
	v59 =	vld [tilespmem:s30+$0x20]  }
0xb6: {  	v60 =	vld [tilespmem:s30+$0x30]  }
0xb7: {  	v62 =	vld [tilespmem:s30+$0x40]  }
0xb8: {  	v61 =	vbroadcast v2, $0x0;
	v34 =	vld [tilespmem:s30+$0x50];
	s31 =	spop (v2sf)  }
0xb9: {  	v33 =	vbroadcast v2, $0xC;
	v35 =	vld [tilespmem:s31+$0x0]  }
0xba: {  	v4 =	vmul.f32 v39, v61;
	v5 =	vmul.f32 v5, v61;
	v36 =	vld [tilespmem:s31+$0x10]  }
0xbb: {  	v7 =	vmul.f32 v63, v61;
	v63 =	vbroadcast v2, $0x1;
	(v2sf) =	vpush v3, $0x8;
	v38 =	vld [tilespmem:s31+$0x20]  }
0xbc: {  	v6 =	vmul.f32 v6, v61;
	v8 =	vmul.f32 v8, v61;
	v32 =	vld [tilespmem:s31+$0x30]  }
0xbd: {  	v9 =	vmul.f32 v9, v61;
	v10 =	vmul.f32 v40, v63;
	v39 =	vld [tilespmem:s31+$0x40]  }
0xbe: {  	v11 =	vmul.f32 v41, v63;
	v12 =	vmul.f32 v42, v63;
	v40 =	vld [tilespmem:s31+$0x50];
	s26 =	spop (v2sf)  }
0xbf: {  	v13 =	vmul.f32 v43, v63;
	v14 =	vmul.f32 v44, v63;
	v4 =	vadd.f32 v10, v4;
	v41 =	vld [tilespmem:s26+$0x0]  }
0xc0: {  	v44 =	vbroadcast v2, $0x2;
	v5 =	vadd.f32 v11, v5;
	v6 =	vadd.f32 v12, v6;
	v11 =	vld [tilespmem:s26+$0x10]  }
0xc1: {  	v15 =	vmul.f32 v45, v63;
	v7 =	vadd.f32 v13, v7;
	(v2sf) =	vpush v3, $0x9;
	v13 =	vld [tilespmem:s26+$0x20]  }
0xc2: {  	v45 =	vmul.f32 v46, v44;
	v8 =	vadd.f32 v14, v8;
	v46 =	vmul.f32 v47, v44;
	v17 =	vld [tilespmem:s26+$0x30]  }
0xc3: {  	v47 =	vmul.f32 v48, v44;
	v9 =	vadd.f32 v15, v9;
	v48 =	vmul.f32 v49, v44;
	v19 =	vld [tilespmem:s26+$0x40]  }
0xc4: {  	v49 =	vmul.f32 v50, v44;
	v50 =	vbroadcast v2, $0x3;
	v4 =	vadd.f32 v45, v4;
	v14 =	vld [tilespmem:s26+$0x50];
	s28 =	spop (v2sf)  }
0xc5: {  	v10 =	vmul.f32 v51, v44;
	v5 =	vadd.f32 v46, v5;
	v6 =	vadd.f32 v47, v6;
	v15 =	vld [tilespmem:s28+$0x0]  }
0xc6: {  	v7 =	vadd.f32 v48, v7;
	v8 =	vadd.f32 v49, v8;
	v46 =	vbroadcast v2, $0x6;
	v20 =	vld [tilespmem:s28+$0x10]  }
0xc7: {  	v51 =	vmul.f32 v52, v50;
	v52 =	vmul.f32 v53, v50;
	(v2sf) =	vpush v3, $0xA;
	v23 =	vld [tilespmem:s28+$0x20]  }
0xc8: {  	v9 =	vadd.f32 v10, v9;
	v53 =	vmul.f32 v54, v50;
	v54 =	vmul.f32 v55, v50;
	v25 =	vld [tilespmem:s28+$0x30]  }
0xc9: {  	v55 =	vmul.f32 v56, v50;
	v56 =	vbroadcast v2, $0x4;
	v4 =	vadd.f32 v51, v4;
	v16 =	vld [tilespmem:s28+$0x40]  }
0xca: {  	v12 =	vmul.f32 v27, v50;
	v5 =	vadd.f32 v52, v5;
	v6 =	vadd.f32 v53, v6;
	v21 =	vld [tilespmem:s28+$0x50];
	s29 =	spop (v2sf)  }
0xcb: {  	v7 =	vadd.f32 v54, v7;
	v57 =	vmul.f32 v57, v56;
	v8 =	vadd.f32 v55, v8;
	v26 =	vld [tilespmem:s29+$0x0]  }
0xcc: {  	v58 =	vmul.f32 v58, v56;
	v59 =	vmul.f32 v59, v56;
	v9 =	vadd.f32 v12, v9;
	v28 =	vld [tilespmem:s29+$0x10]  }
0xcd: {  	v60 =	vmul.f32 v60, v56;
	v61 =	vmul.f32 v62, v56;
	(v2sf) =	vpush v3, $0xB;
	v29 =	vld [tilespmem:s29+$0x20]  }
0xce: {  	v62 =	vbroadcast v2, $0x5;
	v24 =	vmul.f32 v34, v56;
	v4 =	vadd.f32 v57, v4;
	v10 =	vld [tilespmem:s29+$0x30]  }
0xcf: {  	v52 =	vbroadcast v2, $0x7;
	v5 =	vadd.f32 v58, v5;
	v6 =	vadd.f32 v59, v6;
	v22 =	vld [tilespmem:s29+$0x40]  }
0xd0: {  	v7 =	vadd.f32 v60, v7;
	v63 =	vmul.f32 v35, v62;
	v37 =	vmul.f32 v36, v62;
	v30 =	vld [tilespmem:s29+$0x50];
	s30 =	spop (v2sf)  }
0xd1: {  	v8 =	vadd.f32 v61, v8;
	v42 =	vmul.f32 v38, v62;
	v43 =	vmul.f32 v32, v62;
	v45 =	vld [tilespmem:s30+$0x0]  }
0xd2: {  	v9 =	vadd.f32 v24, v9;
	v44 =	vmul.f32 v39, v62;
	v18 =	vmul.f32 v40, v62;
	v47 =	vld [tilespmem:s30+$0x10]  }
0xd3: {  	v62 =	vbroadcast v2, $0x8;
	v4 =	vadd.f32 v63, v4;
	(v2sf) =	vpush v3, $0xC;
	v48 =	vld [tilespmem:s30+$0x20]  }
0xd4: {  	v5 =	vadd.f32 v37, v5;
	v49 =	vmul.f32 v41, v46;
	v11 =	vmul.f32 v11, v46;
	v50 =	vld [tilespmem:s30+$0x30]  }
0xd5: {  	v6 =	vadd.f32 v42, v6;
	v13 =	vmul.f32 v13, v46;
	v17 =	vmul.f32 v17, v46;
	v51 =	vld [tilespmem:s30+$0x40]  }
0xd6: {  	v7 =	vadd.f32 v43, v7;
	v19 =	vmul.f32 v19, v46;
	v14 =	vmul.f32 v14, v46;
	v53 =	vld [tilespmem:s30+$0x50];
	s31 =	spop (v2sf)  }
0xd7: {  	v8 =	vadd.f32 v44, v8;
	v41 =	vbroadcast v2, $0x9;
	v55 =	vmul.f32 v15, v52;
	v54 =	vld [tilespmem:s31+$0x0]  }
0xd8: {  	v9 =	vadd.f32 v18, v9;
	v57 =	vmul.f32 v20, v52;
	v58 =	vmul.f32 v23, v52;
	v56 =	vld [tilespmem:s31+$0x10]  }
0xd9: {  	v60 =	vmul.f32 v25, v52;
	v4 =	vadd.f32 v49, v4;
	(v2sf) =	vpush v3, $0xD;
	v59 =	vld [tilespmem:s31+$0x20]  }
0xda: {  	v16 =	vmul.f32 v16, v52;
	v5 =	vadd.f32 v11, v5;
	v6 =	vadd.f32 v13, v6;
	v61 =	vld [tilespmem:s31+$0x30]  }
0xdb: {  	v21 =	vmul.f32 v21, v52;
	v7 =	vadd.f32 v17, v7;
	v8 =	vadd.f32 v19, v8;
	v63 =	vld [tilespmem:s31+$0x40]  }
0xdc: {  	v9 =	vadd.f32 v14, v9;
	v36 =	vmul.f32 v26, v62;
	v37 =	vmul.f32 v28, v62;
	v35 =	vld [tilespmem:s31+$0x50];
	s26 =	spop (v2sf)  }
0xdd: {  	v39 =	vmul.f32 v29, v62;
	v4 =	vadd.f32 v55, v4;
	v5 =	vadd.f32 v57, v5;
	v38 =	vld [tilespmem:s26+$0x0]  }
0xde: {  	v10 =	vmul.f32 v10, v62;
	v6 =	vadd.f32 v58, v6;
	v7 =	vadd.f32 v60, v7;
	v40 =	vld [tilespmem:s26+$0x10]  }
0xdf: {  	v22 =	vmul.f32 v22, v62;
	v8 =	vadd.f32 v16, v8;
	(v2sf) =	vpush v3, $0xE;
	v42 =	vld [tilespmem:s26+$0x20]  }
0xe0: {  	v13 =	vmul.f32 v30, v62;
	v9 =	vadd.f32 v21, v9;
	v4 =	vadd.f32 v36, v4;
	v43 =	vld [tilespmem:s26+$0x30]  }
0xe1: {  	v5 =	vadd.f32 v37, v5;
	v44 =	vmul.f32 v45, v41;
	v45 =	vld [tilespmem:s26+$0x40];
	v46 =	vmul.f32 v47, v41  }
0xe2: {  	v6 =	vadd.f32 v39, v6;
	v47 =	vmul.f32 v48, v41;
	v48 =	vld [tilespmem:s26+$0x50];
	v49 =	vmul.f32 v50, v41;
	s28 =	spop (v2sf)  }
0xe3: {  	v7 =	vadd.f32 v10, v7;
	v18 =	vmul.f32 v51, v41;
	v51 =	vbroadcast v2, $0xA;
	v50 =	vld [tilespmem:s28+$0x0]  }
0xe4: {  	v60 =	vbroadcast v2, $0xB;
	v8 =	vadd.f32 v22, v8;
	v9 =	vadd.f32 v13, v9;
	v52 =	vld [tilespmem:s28+$0x10]  }
0xe5: {  	v26 =	vmul.f32 v53, v41;
	v54 =	vmul.f32 v54, v51;
	(v2sf) =	vpush v3, $0xF;
	v53 =	vld [tilespmem:s28+$0x20]  }
0xe6: {  	v4 =	vadd.f32 v44, v4;
	v55 =	vmul.f32 v56, v51;
	v57 =	vmul.f32 v59, v51;
	v56 =	vld [tilespmem:s28+$0x30]  }
0xe7: {  	v5 =	vadd.f32 v46, v5;
	v58 =	vmul.f32 v61, v51;
	v17 =	vmul.f32 v63, v51;
	v59 =	vld [tilespmem:s28+$0x40]  }
0xe8: {  	v6 =	vadd.f32 v47, v6;
	v10 =	vmul.f32 v35, v51;
	v63 =	vmul.f32 v38, v60;
	s29 =	spop (v2sf);
	v61 =	vld [tilespmem:s28+$0x50]  }
0xe9: {  	v8 =	vadd.f32 v18, v8;
	v25 =	vmul.f32 v40, v60;
	v29 =	vmul.f32 v42, v60;
	v62 =	vld [tilespmem:s29+$0x0]  }
0xea: {  	v9 =	vadd.f32 v26, v9;
	v31 =	vmul.f32 v43, v60;
	v40 =	vbroadcast v2, $0xD;
	v24 =	vld [tilespmem:s29+$0x10]  }
0xeb: {  	v47 =	vbroadcast v2, $0xE;
	v4 =	vadd.f32 v54, v4;
	v5 =	vadd.f32 v55, v5;
	v30 =	vld [tilespmem:s29+$0x20]  }
0xec: {  	v2 =	vbroadcast v2, $0xF;
	v6 =	vadd.f32 v57, v6;
	v8 =	vadd.f32 v17, v8;
	v32 =	vld [tilespmem:s29+$0x30]  }
0xed: {  	v9 =	vadd.f32 v10, v9;
	v12 =	vmul.f32 v45, v60;
	v4 =	vadd.f32 v63, v4;
	v34 =	vld [tilespmem:s29+$0x40]  }
0xee: {  	v22 =	vmul.f32 v48, v60;
	v5 =	vadd.f32 v25, v5;
	v6 =	vadd.f32 v29, v6;
	s30 =	spop (v2sf);
	v35 =	vld [tilespmem:s29+$0x50]  }
0xef: {  	v3 =	vadd.f32 v49, v7;
	v38 =	vld [tilespmem:s30+$0x0];
	v36 =	vmul.f32 v50, v33;
	v37 =	vmul.f32 v52, v33  }
0xf0: {  	v8 =	vadd.f32 v12, v8;
	v39 =	vld [tilespmem:s30+$0x10];
	v21 =	vmul.f32 v53, v33;
	v13 =	vmul.f32 v56, v33  }
0xf1: {  	v3 =	vadd.f32 v58, v3;
	v41 =	vld [tilespmem:s30+$0x20];
	v20 =	vmul.f32 v59, v33;
	v11 =	vmul.f32 v61, v33  }
0xf2: {  	v9 =	vadd.f32 v22, v9;
	v42 =	vld [tilespmem:s30+$0x30];
	v7 =	vmul.f32 v62, v40;
	v43 =	vmul.f32 v24, v40  }
0xf3: {  	v44 =	vld [tilespmem:s30+$0x40];
	v3 =	vadd.f32 v31, v3;
	v18 =	vmul.f32 v30, v40;
	v16 =	vmul.f32 v32, v40  }
0xf4: {  	v45 =	vld [tilespmem:s30+$0x50];
	v46 =	vmul.f32 v34, v40;
	v4 =	vadd.f32 v36, v4;
	v5 =	vadd.f32 v37, v5;
	s31 =	spop (v2sf)  }
0xf5: {  	v10 =	vmul.f32 v35, v40;
	v6 =	vadd.f32 v21, v6;
	v3 =	vadd.f32 v13, v3;
	v48 =	vld [tilespmem:s31+$0x0]  }
0xf6: {  	v8 =	vadd.f32 v20, v8;
	v50 =	vmul.f32 v38, v47;
	v52 =	vmul.f32 v39, v47;
	v49 =	vld [tilespmem:s31+$0x10]  }
0xf7: {  	v9 =	vadd.f32 v11, v9;
	v54 =	vmul.f32 v41, v47;
	v17 =	vmul.f32 v42, v47;
	v51 =	vld [tilespmem:s31+$0x20]  }
0xf8: {  	v14 =	vmul.f32 v44, v47;
	v4 =	vadd.f32 v7, v4;
	v5 =	vadd.f32 v43, v5;
	v53 =	vld [tilespmem:s31+$0x30]  }
0xf9: {  	v15 =	vmul.f32 v45, v47;
	v6 =	vadd.f32 v18, v6;
	v3 =	vadd.f32 v16, v3;
	v55 =	vld [tilespmem:s31+$0x40]  }
0xfa: {  	v8 =	vadd.f32 v46, v8;
	v4 =	vadd.f32 v50, v4;
	v57 =	vld [tilespmem:s31+$0x50];
	v56 =	vmul.f32 v48, v2  }
0xfb: {  	v9 =	vadd.f32 v10, v9;
	v5 =	vadd.f32 v52, v5;
	v7 =	vmul.f32 v49, v2  }
0xfc: {  	v6 =	vadd.f32 v54, v6;
	v58 =	vmul.f32 v51, v2;
	v4 =	vadd.f32 v56, v4  }
0xfd: {  	v3 =	vadd.f32 v17, v3;
	v59 =	vmul.f32 v53, v2;
	v5 =	vadd.f32 v7, v5  }
0xfe: {  	p0 =	sne.s32 s24, $0xF80;
	v60 =	vadd.f32 v14, v8;
	v61 =	vmul.f32 v55, v2;
	v6 =	vadd.f32 v58, v6;
	[tilespmem:s23+$0x0] =	vst v4  }
.Ltmp0:
0xff: {  	v62 =	vadd.f32 v15, v9;
	v2 =	vmul.f32 v57, v2;
	v3 =	vadd.f32 v59, v3;
	[tilespmem:s23+$0x10] =	vst v5;
	(pc) =	sbr.rel @p0 .LBB2_3-.Ltmp0, $4  }
0x100: {  	v63 =	vadd.f32 v61, v60;
	[tilespmem:s23+$0x20] =	vst v6  }
0x101: {  	v2 =	vadd.f32 v2, v62;
	[tilespmem:s23+$0x30] =	vst v3  }
0x102: {  	[tilespmem:s23+$0x40] =	vst v63  }
0x103: {  	s24 =	sadd.s32 $0x80, s24;
	[tilespmem:s23+$0x50] =	vst v2;
	s23 =	sadd.s32 $0xC0, s23  }
0x104: {  	s23 =	sshll.u32 s21, $0x6  }
0x105: {  	s21 =	sadd.s32 $0x1, s21;
	s23 =	sadd.s32 s4, s23  }
0x106: {  	p0 =	sne.s32 s21, $0x8;
	s23 =	smul.u32 $0x60, s23  }
.Ltmp1:
0x107: {  	_ = 	snop;
	(pc) =	sbr.rel @p0 .LBB2_2-.Ltmp1, $4  }
0x108: {  	s23 =	sadd.s32 s8, s23  }
0x109: {  	s23 =	sshrl.u32 s23, $0x3  }
0x10a: {  	s19 =	sadd.s32 $0x400, s19;
	s20 =	sadd.s32 $0x400, s20;
	s23 =	sadd.s32 s3, s23  }
0x10b: {  	[hbm4b:s23+s2] =	stream.linear.scatter [tilespmem:s22], [sflag:$0x2], $0x1800, $0x38;
	[tilespmem:$0x1F000] =	vst v63  }
0x10c: {  	s18 =	sadd.s32 $0x1, s18  }
0x10d: {  	_ =	swait.ge [sflag:s17], $0x1800;
	p0 =	sne.s32 s18, s9  }
.Ltmp2:
0x10e: {  	[sflag:s17] =	ssyncset.done $0x0;
	(pc) =	sbr.rel @p0 .LBB2_1-.Ltmp2, $4  }
0x10f: {  	[sflag:s17] =	ssyncadd.s32 $0xFFFFE800  }
0x110: {  	_ =	swait.ge [sflag:s17], $0x1800  }
0x111: {  	[sflag:s17] =	ssyncset.done $0x0  }
0x112: {  	[sflag:s17] =	ssyncadd.s32 $0xFFFFE800  }
0x113: {  	_ =	sfence.sel $0x180000  }
0x114: {  	[bflag:$0x0] =	sbarrier.arrive $0xFFFF  }
0x115: {  	p0 =	sne.s32 s1, $0x0;
	_ =	strace $0x90000047  }
0x116: {  	s0 =	sadd.s32 @!p0 $0x100000, s0;
	[bflag:$0x2] =	sbarrier.arrive $0xFFFF  }
0x117: {  	[sflag:s0] =	ssyncadd.tile.s32 @!p0 $0x1;
	_ =	shalt  }
.Lfunc_end2:
_tile_overlayer_lowered:
.L_overlay_start_2:
0x118: {  	(tag) =	ssettag $0x2  }
0x119: {  	s0 =	rddreg [dreg:$0x0];
	s2 =	stileid.u32  }
0x11a: {  	s1 =	rddreg [dreg:$0x1];
	p0 =	sne.s32 s2, $0x0  }
0x11b: {  	s3 =	rddreg [dreg:$0x2];
	[bflag:$0x3] =	sbarrier.arrive $0xFFFF;
	s2 =	simm.s32 @!p0 $0x1C03  }
0x11c: {  	[timem:s3], [sflag:s2] =	dma.local @!p0 [hbm:s0], s1  }
0x11d: {  	s0 =	simm.s32 @!p0 $0x3  }
0x11e: {  	_ =	swait.ge @!p0 [sflag:s0], s1  }
0x11f: {  	s1 =	ssub.s32 @!p0 $0x0, s1;
	[sflag:s0] =	ssyncset.done @!p0 $0x0  }
0x120: {  	[sflag:s0] =	ssyncadd.s32 @!p0 s1  }
0x121: {  	[bflag:$0x3] =	sbarrier.arrive $0xFFFF  }
0x122: {  	_ =	shalt  }

</sc_bundles>
